<compile_context>
chip_gen: v7x
topology: tpu7x:2x2x1
jax: 0.10.2.dev20260603
libtpu: 0.0.44.dev20260713+nightly
codegen_flags: <defaults>
</compile_context>

<pallas_src>
import functools

import jax
import jax.numpy as jnp
from jax import lax
from jax.experimental import pallas as pl
from jax.experimental.pallas import tpu as pltpu
from jax.experimental.pallas import tpu_sc as plsc

_NC = 2
_NS = 16
_G = 128


@functools.lru_cache(maxsize=None)
def _sc_scatter_kernel(n_acc, chunks, g, d):
    mesh = plsc.VectorSubcoreMesh(core_axis_name="c", subcore_axis_name="s")
    rows_per_tile = n_acc // _NS
    assert chunks % 16 == 0
    hc = chunks // 2

    @functools.partial(
        pl.kernel,
        out_type=jax.ShapeDtypeStruct((_NC, n_acc, d), jnp.float32),
        mesh=mesh,
        scratch_types=[
            pltpu.VMEM((chunks, g), jnp.int32),
            pltpu.VMEM((hc, g), jnp.int32),
            pltpu.VMEM((g, d), jnp.float32),
            pltpu.VMEM_SHARED((n_acc, d), jnp.float32),
            pltpu.SemaphoreType.DMA,
        ],
    )
    def k(src_hbm, dst_hbm, xw_hbm, parts_hbm,
          src_v, dst_v, rows0, acc, semg0):
        c = lax.axis_index("c")
        s = lax.axis_index("s")
        tid = c * _NS + s

        lanes_per_row = d // 16

        def _zero(i, carry):
            r = i // lanes_per_row
            col = (i % lanes_per_row) * 16
            rows0[r, pl.ds(col, 16)] = jnp.zeros((16,), jnp.float32)
            return carry

        lax.fori_loop(0, g * lanes_per_row, _zero, 0)
        for z in range(rows_per_tile // g):
            pltpu.sync_copy(rows0, acc.at[pl.ds(s * rows_per_tile + z * g, g)])
        plsc.subcore_barrier()

        pltpu.sync_copy(src_hbm.at[tid], src_v)
        pltpu.sync_copy(dst_hbm.at[tid, 0], dst_v)

        def _chunk_body(dst_base):
            def body(kk, carry):
                pltpu.async_copy(xw_hbm.at[src_v.at[kk]], rows0, semg0).wait()
                pltpu.sync_copy(rows0, acc.at[dst_v.at[kk - dst_base]],
                                add=True)
                return carry
            return body

        lax.fori_loop(0, hc, _chunk_body(0), 0)
        pltpu.sync_copy(dst_hbm.at[tid, 1], dst_v)
        lax.fori_loop(hc, chunks, _chunk_body(hc), 0)

        plsc.subcore_barrier()
        pltpu.sync_copy(acc.at[pl.ds(s * rows_per_tile, rows_per_tile)],
                        parts_hbm.at[c, pl.ds(s * rows_per_tile, rows_per_tile)])

    return k


def _matmul(x, w):
    n, d = x.shape
    bm = 1000

    def body(x_ref, w_ref, o_ref):
        o_ref[...] = jnp.dot(x_ref[...], w_ref[...],
                             preferred_element_type=jnp.float32)

    return pl.pallas_call(
        body,
        grid=(n // bm,),
        in_specs=[pl.BlockSpec((bm, d), lambda i: (i, 0)),
                  pl.BlockSpec((d, d), lambda i: (0, 0))],
        out_specs=pl.BlockSpec((bm, d), lambda i: (i, 0)),
        out_shape=jax.ShapeDtypeStruct((n, d), jnp.float32),
    )(x, w)


def _combine(x, w_self, b, parts, w_neigh_next):
    n, d = x.shape
    bm = 1000
    with_next = w_neigh_next is not None

    def body(x_ref, ws_ref, b_ref, p0_ref, p1_ref, *rest):
        if with_next:
            wn_ref, h_ref, xw_ref = rest
        else:
            (h_ref,) = rest
        h = jnp.dot(x_ref[...], ws_ref[...], preferred_element_type=jnp.float32)
        h = h + p0_ref[0] + p1_ref[0] + b_ref[...]
        h = jnp.maximum(h, 0.0)
        h_ref[...] = h
        if with_next:
            xw_ref[...] = jnp.dot(h, wn_ref[...],
                                  preferred_element_type=jnp.float32)

    in_specs = [
        pl.BlockSpec((bm, d), lambda i: (i, 0)),
        pl.BlockSpec((d, d), lambda i: (0, 0)),
        pl.BlockSpec((1, d), lambda i: (0, 0)),
        pl.BlockSpec((1, bm, d), lambda i: (0, i, 0)),
        pl.BlockSpec((1, bm, d), lambda i: (1, i, 0)),
    ]
    out_shape = jax.ShapeDtypeStruct((n, d), jnp.float32)
    operands = [x, w_self, b.reshape(1, d), parts, parts]
    if with_next:
        in_specs.append(pl.BlockSpec((d, d), lambda i: (0, 0)))
        operands.append(w_neigh_next)
        out_shapes = [out_shape, out_shape]
        out_specs = [pl.BlockSpec((bm, d), lambda i: (i, 0))] * 2
    else:
        out_shapes = out_shape
        out_specs = pl.BlockSpec((bm, d), lambda i: (i, 0))

    return pl.pallas_call(
        body,
        grid=(n // bm,),
        in_specs=in_specs,
        out_specs=out_specs,
        out_shape=out_shapes,
    )(*operands)


def kernel(edge_index, x, W_self1, W_neigh1, b1, W_self2, W_neigh2, b2):
    n, d = x.shape
    e = edge_index.shape[1]
    nw = _NC * _NS
    cdiv = lambda a, b: (a + b - 1) // b
    chunks = cdiv(cdiv(e, nw), _G * 16) * 16
    ept = chunks * _G
    n_acc = cdiv(n, _NS * _G) * (_NS * _G)

    src = edge_index[0]
    dst = edge_index[1]
    pad = nw * ept - e
    pad_src = jnp.arange(pad, dtype=jnp.int32) % n
    src_r = jnp.concatenate([src, pad_src]).reshape(nw, chunks, _G)
    dst_r = jnp.pad(dst, (0, pad), constant_values=n).reshape(
        nw, 2, chunks // 2, _G)

    sc_k = _sc_scatter_kernel(n_acc, chunks, _G, d)

    xw1 = _matmul(x, W_neigh1)
    parts1 = sc_k(src_r, dst_r, xw1)
    h, xw2 = _combine(x, W_self1, b1, parts1, W_neigh2)
    parts2 = sc_k(src_r, dst_r, xw2)
    return _combine(h, W_self2, b2, parts2, None)

# --- scband reference (transcript-rebuilt; emitter-appended) ---
"""Pipeline reference for scband-graph-encoder-38637525795180 (READ-ONLY COPY).

The authoritative reference and input builder live on the scoring server;
editing this copy changes nothing except your own understanding.
"""

import jax, jax.numpy as jnp
import numpy as np

N = 10000
E = 320000
D = 128


def setup_inputs(seed: int = 0) -> dict:
    key = jax.random.key(seed)
    ks = jax.random.split(key, 9)
    x = jax.random.normal(ks[0], (N, D), dtype=jnp.float32)
    edge_index = jax.random.randint(ks[1], (2, E), 0, N, dtype=jnp.int32)
    scale = 1.0 / np.sqrt(D)
    W_self1 = jax.random.normal(ks[2], (D, D), dtype=jnp.float32) * scale
    W_neigh1 = jax.random.normal(ks[3], (D, D), dtype=jnp.float32) * scale
    b1 = jnp.zeros((D,), dtype=jnp.float32)
    W_self2 = jax.random.normal(ks[4], (D, D), dtype=jnp.float32) * scale
    W_neigh2 = jax.random.normal(ks[5], (D, D), dtype=jnp.float32) * scale
    b2 = jnp.zeros((D,), dtype=jnp.float32)
    return {
        "edge_index": edge_index,
        "x": x,
        "W_self1": W_self1,
        "W_neigh1": W_neigh1,
        "b1": b1,
        "W_self2": W_self2,
        "W_neigh2": W_neigh2,
        "b2": b2,
    }


def _graph_conv(x, edge_index, W_self, W_neigh, b):
    # GraphConv (PyG-style): out_i = W_self x_i + W_neigh * sum_{j in N(i)} x_j + b
    src = edge_index[0]
    dst = edge_index[1]
    msgs = jnp.take(x, src, axis=0)  # gather: [E, D]
    agg = jax.ops.segment_sum(msgs, dst, num_segments=N)  # scatter-add: [N, D]
    return x @ W_self + agg @ W_neigh + b


def reference(edge_index, x, W_self1, W_neigh1, b1, W_self2, W_neigh2, b2):
    h = jax.nn.relu(_graph_conv(x, edge_index, W_self1, W_neigh1, b1))
    h = jax.nn.relu(_graph_conv(h, edge_index, W_self2, W_neigh2, b2))
    return h

if __name__ == "__main__":
    import jax
    _d = setup_inputs()
    print(jax.jit(kernel)(*tuple(_d.values())))

</pallas_src>

<mosaic_0001>
#map = affine_map<(d0, d1) -> (0, 0, 0)>
#map1 = affine_map<(d0, d1) -> (0, 0, 0, 0)>
#map2 = affine_map<(d0, d1) -> (0, 0)>
module attributes {stable_mosaic.version = 14 : i64} {
  func.func @k(%arg0: i32, %arg1: i32, %arg2: memref<32x80x128xi32, #tpu.memory_space<hbm>>, %arg3: memref<32x2x40x128xi32, #tpu.memory_space<hbm>>, %arg4: memref<10000x128xf32, #tpu.memory_space<hbm>>, %arg5: memref<2x10240x128xf32, #tpu.memory_space<hbm>>, %arg6: memref<80x128xi32, #tpu.memory_space<vmem>>, %arg7: memref<40x128xi32, #tpu.memory_space<vmem>>, %arg8: memref<128x128xf32, #tpu.memory_space<vmem>>, %arg9: memref<10240x128xf32, #tpu.memory_space<vmem_shared>>, %arg10: memref<!tpu.dma_semaphore, #tpu.memory_space<semaphore_mem>>) attributes {dimension_semantics = [#tpu.dimension_semantics<core_parallel>, #tpu.dimension_semantics<subcore_parallel>], iteration_bounds = array<i64: 2, 16>, scalar_prefetch = 0 : i64, scratch_operands = 5 : i64, tpu.core_type = #tpu.core_type<sc_vector_subcore>, window_params = [{transform_indices = #map}, {transform_indices = #map1}, {transform_indices = #map2}, {transform_indices = #map}]} {
    %mul3A = arith.constant 16 : i32
    %mul3A_0 = arith.muli %arg0, %mul3A : i32
    %add3A = arith.addi %mul3A_0, %arg1 : i32
    %scan3A = arith.constant 0 : i32
    %scan3A_1 = arith.constant 0 : i32
    %scan3A_2 = arith.constant 1024 : i32
    %scan3A_3 = arith.addi %scan3A_1, %scan3A_2 : i32
    %scan3A_4 = arith.constant 1 : i32
    scf.for %scan3A_44 = %scan3A_1 to %scan3A_3 step %scan3A_4  : i32 {
      %jit3A = arith.constant 8 : i32
      %div3A = arith.divsi %scan3A_44, %jit3A : i32
      %sign3A = arith.constant 0 : i32
      %sign3A_45 = arith.cmpi sgt, %scan3A_44, %sign3A : i32
      %sign3A_46 = arith.extui %sign3A_45 : i1 to i32
      %sign3A_47 = arith.constant 0 : i32
      %sign3A_48 = arith.cmpi slt, %scan3A_44, %sign3A_47 : i32
      %sign3A_49 = arith.extui %sign3A_48 : i1 to i32
      %sign3A_50 = arith.subi %sign3A_46, %sign3A_49 : i32
      %sign3A_51 = arith.constant 0 : i32
      %sign3A_52 = arith.cmpi sgt, %jit3A, %sign3A_51 : i32
      %sign3A_53 = arith.extui %sign3A_52 : i1 to i32
      %sign3A_54 = arith.constant 0 : i32
      %sign3A_55 = arith.cmpi slt, %jit3A, %sign3A_54 : i32
      %sign3A_56 = arith.extui %sign3A_55 : i1 to i32
      %sign3A_57 = arith.subi %sign3A_53, %sign3A_56 : i32
      %ne3A = arith.cmpi ne, %sign3A_50, %sign3A_57 : i32
      %rem3A = arith.remsi %scan3A_44, %jit3A : i32
      %ne3A_58 = arith.constant 0 : i32
      %ne3A_59 = arith.cmpi ne, %rem3A, %ne3A_58 : i32
      %and3A = arith.andi %ne3A, %ne3A_59 : i1
      %sub3A = arith.constant 1 : i32
      %sub3A_60 = arith.subi %div3A, %sub3A : i32
      %select_n3A = arith.select %and3A, %sub3A_60, %div3A : i32
      %jit3A_61 = arith.constant 8 : i32
      %eq3A = arith.constant 0 : i32
      %eq3A_62 = arith.cmpi eq, %jit3A_61, %eq3A : i32
      %jit3A_63 = arith.constant 1 : i32
      %select_n3A_64 = arith.select %eq3A_62, %jit3A_63, %jit3A_61 : i32
      %rem3A_65 = arith.remsi %scan3A_44, %select_n3A_64 : i32
      %ne3A_66 = arith.constant 0 : i32
      %ne3A_67 = arith.cmpi ne, %rem3A_65, %ne3A_66 : i32
      %lt3A = arith.constant 0 : i32
      %lt3A_68 = arith.cmpi slt, %rem3A_65, %lt3A : i32
      %lt3A_69 = arith.constant 0 : i32
      %lt3A_70 = arith.cmpi slt, %select_n3A_64, %lt3A_69 : i32
      %ne3A_71 = arith.xori %lt3A_68, %lt3A_70 : i1
      %and3A_72 = arith.andi %ne3A_71, %ne3A_67 : i1
      %add3A_73 = arith.addi %rem3A_65, %select_n3A_64 : i32
      %select_n3A_74 = arith.select %and3A_72, %add3A_73, %rem3A_65 : i32
      %mul3A_75 = arith.constant 16 : i32
      %mul3A_76 = arith.muli %select_n3A_74, %mul3A_75 : i32
      %broadcast_in_dim3A = arith.constant 0.000000e+00 : f32
      %broadcast_in_dim3A_77 = vector.broadcast %broadcast_in_dim3A : f32 to vector<16xf32>
      %swap3A = arith.index_cast %select_n3A : i32 to index
      %swap3A_78 = arith.index_cast %mul3A_76 : i32 to index
      %swap3A_79 = tpu.vector_load %arg8[%swap3A, %swap3A_78] {strides = array<i32>} : memref<128x128xf32, #tpu.memory_space<vmem>>, vector<1x16xf32>,
      %swap3A_80 = vector.shape_cast %swap3A_79 : vector<1x16xf32> to vector<16xf32>
      %swap3A_81 = vector.shape_cast %broadcast_in_dim3A_77 : vector<16xf32> to vector<1x16xf32>
      tpu.vector_store %arg8[%swap3A, %swap3A_78], %swap3A_81 {strides = array<i32>} : memref<128x128xf32, #tpu.memory_space<vmem>>, vector<1x16xf32>,
    }
    %scan3A_5 = arith.constant 1024 : i32
    %mul3A_6 = arith.constant 640 : i32
    %mul3A_7 = arith.muli %arg1, %mul3A_6 : i32
    %add3A_8 = arith.constant 0 : i32
    %add3A_9 = arith.addi %mul3A_7, %add3A_8 : i32
    "tpu.region"() ({
      %run_scoped3A_44 = tpu.sem_alloc : memref<!tpu.dma_semaphore, #tpu.memory_space<semaphore_mem>>
      %dma_start3A = arith.constant 0 : i32
      %dma_start3A_45 = tpu.memref_slice %arg9[%add3A_9, %dma_start3A] : memref<10240x128xf32, #tpu.memory_space<vmem_shared>> -> memref<128x128xf32, #tpu.memory_space<vmem_shared>>
      %dma_start3A_46 = arith.constant 0 : i32
      %dma_start3A_47 = tpu.memref_slice %arg9[%add3A_9, %dma_start3A_46] : memref<10240x128xf32, #tpu.memory_space<vmem_shared>> -> memref<128x128xf32, #tpu.memory_space<vmem_shared>>
      tpu.enqueue_dma source(%arg8 : memref<128x128xf32, #tpu.memory_space<vmem>>) target(%dma_start3A_47 : memref<128x128xf32, #tpu.memory_space<vmem_shared>>) target_semaphore(%run_scoped3A_44 : memref<!tpu.dma_semaphore, #tpu.memory_space<semaphore_mem>>)
      %dma_wait3A = arith.constant 0 : i32
      %dma_wait3A_48 = tpu.memref_slice %arg9[%add3A_9, %dma_wait3A] : memref<10240x128xf32, #tpu.memory_space<vmem_shared>> -> memref<128x128xf32, #tpu.memory_space<vmem_shared>>
      %dma_wait3A_49 = arith.constant 0 : i32
      %dma_wait3A_50 = tpu.memref_slice %arg9[%add3A_9, %dma_wait3A_49] : memref<10240x128xf32, #tpu.memory_space<vmem_shared>> -> memref<128x128xf32, #tpu.memory_space<vmem_shared>>
      tpu.wait_dma2 semaphore(%run_scoped3A_44 : memref<!tpu.dma_semaphore, #tpu.memory_space<semaphore_mem>>) src(%arg8 : memref<128x128xf32, #tpu.memory_space<vmem>>) dst(%dma_wait3A_50 : memref<128x128xf32, #tpu.memory_space<vmem_shared>>)
      tpu.yield
    }) : () -> ()
    %mul3A_10 = arith.constant 640 : i32
    %mul3A_11 = arith.muli %arg1, %mul3A_10 : i32
    %add3A_12 = arith.constant 128 : i32
    %add3A_13 = arith.addi %mul3A_11, %add3A_12 : i32
    "tpu.region"() ({
      %run_scoped3A_44 = tpu.sem_alloc : memref<!tpu.dma_semaphore, #tpu.memory_space<semaphore_mem>>
      %dma_start3A = arith.constant 0 : i32
      %dma_start3A_45 = tpu.memref_slice %arg9[%add3A_13, %dma_start3A] : memref<10240x128xf32, #tpu.memory_space<vmem_shared>> -> memref<128x128xf32, #tpu.memory_space<vmem_shared>>
      %dma_start3A_46 = arith.constant 0 : i32
      %dma_start3A_47 = tpu.memref_slice %arg9[%add3A_13, %dma_start3A_46] : memref<10240x128xf32, #tpu.memory_space<vmem_shared>> -> memref<128x128xf32, #tpu.memory_space<vmem_shared>>
      tpu.enqueue_dma source(%arg8 : memref<128x128xf32, #tpu.memory_space<vmem>>) target(%dma_start3A_47 : memref<128x128xf32, #tpu.memory_space<vmem_shared>>) target_semaphore(%run_scoped3A_44 : memref<!tpu.dma_semaphore, #tpu.memory_space<semaphore_mem>>)
      %dma_wait3A = arith.constant 0 : i32
      %dma_wait3A_48 = tpu.memref_slice %arg9[%add3A_13, %dma_wait3A] : memref<10240x128xf32, #tpu.memory_space<vmem_shared>> -> memref<128x128xf32, #tpu.memory_space<vmem_shared>>
      %dma_wait3A_49 = arith.constant 0 : i32
      %dma_wait3A_50 = tpu.memref_slice %arg9[%add3A_13, %dma_wait3A_49] : memref<10240x128xf32, #tpu.memory_space<vmem_shared>> -> memref<128x128xf32, #tpu.memory_space<vmem_shared>>
      tpu.wait_dma2 semaphore(%run_scoped3A_44 : memref<!tpu.dma_semaphore, #tpu.memory_space<semaphore_mem>>) src(%arg8 : memref<128x128xf32, #tpu.memory_space<vmem>>) dst(%dma_wait3A_50 : memref<128x128xf32, #tpu.memory_space<vmem_shared>>)
      tpu.yield
    }) : () -> ()
    %mul3A_14 = arith.constant 640 : i32
    %mul3A_15 = arith.muli %arg1, %mul3A_14 : i32
    %add3A_16 = arith.constant 256 : i32
    %add3A_17 = arith.addi %mul3A_15, %add3A_16 : i32
    "tpu.region"() ({
      %run_scoped3A_44 = tpu.sem_alloc : memref<!tpu.dma_semaphore, #tpu.memory_space<semaphore_mem>>
      %dma_start3A = arith.constant 0 : i32
      %dma_start3A_45 = tpu.memref_slice %arg9[%add3A_17, %dma_start3A] : memref<10240x128xf32, #tpu.memory_space<vmem_shared>> -> memref<128x128xf32, #tpu.memory_space<vmem_shared>>
      %dma_start3A_46 = arith.constant 0 : i32
      %dma_start3A_47 = tpu.memref_slice %arg9[%add3A_17, %dma_start3A_46] : memref<10240x128xf32, #tpu.memory_space<vmem_shared>> -> memref<128x128xf32, #tpu.memory_space<vmem_shared>>
      tpu.enqueue_dma source(%arg8 : memref<128x128xf32, #tpu.memory_space<vmem>>) target(%dma_start3A_47 : memref<128x128xf32, #tpu.memory_space<vmem_shared>>) target_semaphore(%run_scoped3A_44 : memref<!tpu.dma_semaphore, #tpu.memory_space<semaphore_mem>>)
      %dma_wait3A = arith.constant 0 : i32
      %dma_wait3A_48 = tpu.memref_slice %arg9[%add3A_17, %dma_wait3A] : memref<10240x128xf32, #tpu.memory_space<vmem_shared>> -> memref<128x128xf32, #tpu.memory_space<vmem_shared>>
      %dma_wait3A_49 = arith.constant 0 : i32
      %dma_wait3A_50 = tpu.memref_slice %arg9[%add3A_17, %dma_wait3A_49] : memref<10240x128xf32, #tpu.memory_space<vmem_shared>> -> memref<128x128xf32, #tpu.memory_space<vmem_shared>>
      tpu.wait_dma2 semaphore(%run_scoped3A_44 : memref<!tpu.dma_semaphore, #tpu.memory_space<semaphore_mem>>) src(%arg8 : memref<128x128xf32, #tpu.memory_space<vmem>>) dst(%dma_wait3A_50 : memref<128x128xf32, #tpu.memory_space<vmem_shared>>)
      tpu.yield
    }) : () -> ()
    %mul3A_18 = arith.constant 640 : i32
    %mul3A_19 = arith.muli %arg1, %mul3A_18 : i32
    %add3A_20 = arith.constant 384 : i32
    %add3A_21 = arith.addi %mul3A_19, %add3A_20 : i32
    "tpu.region"() ({
      %run_scoped3A_44 = tpu.sem_alloc : memref<!tpu.dma_semaphore, #tpu.memory_space<semaphore_mem>>
      %dma_start3A = arith.constant 0 : i32
      %dma_start3A_45 = tpu.memref_slice %arg9[%add3A_21, %dma_start3A] : memref<10240x128xf32, #tpu.memory_space<vmem_shared>> -> memref<128x128xf32, #tpu.memory_space<vmem_shared>>
      %dma_start3A_46 = arith.constant 0 : i32
      %dma_start3A_47 = tpu.memref_slice %arg9[%add3A_21, %dma_start3A_46] : memref<10240x128xf32, #tpu.memory_space<vmem_shared>> -> memref<128x128xf32, #tpu.memory_space<vmem_shared>>
      tpu.enqueue_dma source(%arg8 : memref<128x128xf32, #tpu.memory_space<vmem>>) target(%dma_start3A_47 : memref<128x128xf32, #tpu.memory_space<vmem_shared>>) target_semaphore(%run_scoped3A_44 : memref<!tpu.dma_semaphore, #tpu.memory_space<semaphore_mem>>)
      %dma_wait3A = arith.constant 0 : i32
      %dma_wait3A_48 = tpu.memref_slice %arg9[%add3A_21, %dma_wait3A] : memref<10240x128xf32, #tpu.memory_space<vmem_shared>> -> memref<128x128xf32, #tpu.memory_space<vmem_shared>>
      %dma_wait3A_49 = arith.constant 0 : i32
      %dma_wait3A_50 = tpu.memref_slice %arg9[%add3A_21, %dma_wait3A_49] : memref<10240x128xf32, #tpu.memory_space<vmem_shared>> -> memref<128x128xf32, #tpu.memory_space<vmem_shared>>
      tpu.wait_dma2 semaphore(%run_scoped3A_44 : memref<!tpu.dma_semaphore, #tpu.memory_space<semaphore_mem>>) src(%arg8 : memref<128x128xf32, #tpu.memory_space<vmem>>) dst(%dma_wait3A_50 : memref<128x128xf32, #tpu.memory_space<vmem_shared>>)
      tpu.yield
    }) : () -> ()
    %mul3A_22 = arith.constant 640 : i32
    %mul3A_23 = arith.muli %arg1, %mul3A_22 : i32
    %add3A_24 = arith.constant 512 : i32
    %add3A_25 = arith.addi %mul3A_23, %add3A_24 : i32
    "tpu.region"() ({
      %run_scoped3A_44 = tpu.sem_alloc : memref<!tpu.dma_semaphore, #tpu.memory_space<semaphore_mem>>
      %dma_start3A = arith.constant 0 : i32
      %dma_start3A_45 = tpu.memref_slice %arg9[%add3A_25, %dma_start3A] : memref<10240x128xf32, #tpu.memory_space<vmem_shared>> -> memref<128x128xf32, #tpu.memory_space<vmem_shared>>
      %dma_start3A_46 = arith.constant 0 : i32
      %dma_start3A_47 = tpu.memref_slice %arg9[%add3A_25, %dma_start3A_46] : memref<10240x128xf32, #tpu.memory_space<vmem_shared>> -> memref<128x128xf32, #tpu.memory_space<vmem_shared>>
      tpu.enqueue_dma source(%arg8 : memref<128x128xf32, #tpu.memory_space<vmem>>) target(%dma_start3A_47 : memref<128x128xf32, #tpu.memory_space<vmem_shared>>) target_semaphore(%run_scoped3A_44 : memref<!tpu.dma_semaphore, #tpu.memory_space<semaphore_mem>>)
      %dma_wait3A = arith.constant 0 : i32
      %dma_wait3A_48 = tpu.memref_slice %arg9[%add3A_25, %dma_wait3A] : memref<10240x128xf32, #tpu.memory_space<vmem_shared>> -> memref<128x128xf32, #tpu.memory_space<vmem_shared>>
      %dma_wait3A_49 = arith.constant 0 : i32
      %dma_wait3A_50 = tpu.memref_slice %arg9[%add3A_25, %dma_wait3A_49] : memref<10240x128xf32, #tpu.memory_space<vmem_shared>> -> memref<128x128xf32, #tpu.memory_space<vmem_shared>>
      tpu.wait_dma2 semaphore(%run_scoped3A_44 : memref<!tpu.dma_semaphore, #tpu.memory_space<semaphore_mem>>) src(%arg8 : memref<128x128xf32, #tpu.memory_space<vmem>>) dst(%dma_wait3A_50 : memref<128x128xf32, #tpu.memory_space<vmem_shared>>)
      tpu.yield
    }) : () -> ()
    %barrier3A = arith.constant 0 : index
    tpu.barrier barrier_id(%barrier3A)
    "tpu.region"() ({
      %run_scoped3A_44 = tpu.sem_alloc : memref<!tpu.dma_semaphore, #tpu.memory_space<semaphore_mem>>
      %dma_start3A = arith.constant 0 : i32
      %dma_start3A_45 = arith.constant 0 : i32
      %dma_start3A_46 = tpu.memref_slice %arg2[%add3A, %dma_start3A, %dma_start3A_45] : memref<32x80x128xi32, #tpu.memory_space<hbm>> -> memref<1x80x128xi32, #tpu.memory_space<hbm>>
      %dma_start3A_47 = tpu.memref_squeeze %dma_start3A_46 : memref<1x80x128xi32, #tpu.memory_space<hbm>> -> memref<80x128xi32, #tpu.memory_space<hbm>>
      %dma_start3A_48 = arith.constant 0 : i32
      %dma_start3A_49 = arith.constant 0 : i32
      %dma_start3A_50 = tpu.memref_slice %arg2[%add3A, %dma_start3A_48, %dma_start3A_49] : memref<32x80x128xi32, #tpu.memory_space<hbm>> -> memref<1x80x128xi32, #tpu.memory_space<hbm>>
      %dma_start3A_51 = tpu.memref_squeeze %dma_start3A_50 : memref<1x80x128xi32, #tpu.memory_space<hbm>> -> memref<80x128xi32, #tpu.memory_space<hbm>>
      tpu.enqueue_dma source(%dma_start3A_51 : memref<80x128xi32, #tpu.memory_space<hbm>>) target(%arg6 : memref<80x128xi32, #tpu.memory_space<vmem>>) target_semaphore(%run_scoped3A_44 : memref<!tpu.dma_semaphore, #tpu.memory_space<semaphore_mem>>)
      %dma_wait3A = arith.constant 0 : i32
      %dma_wait3A_52 = arith.constant 0 : i32
      %dma_wait3A_53 = tpu.memref_slice %arg2[%add3A, %dma_wait3A, %dma_wait3A_52] : memref<32x80x128xi32, #tpu.memory_space<hbm>> -> memref<1x80x128xi32, #tpu.memory_space<hbm>>
      %dma_wait3A_54 = tpu.memref_squeeze %dma_wait3A_53 : memref<1x80x128xi32, #tpu.memory_space<hbm>> -> memref<80x128xi32, #tpu.memory_space<hbm>>
      %dma_wait3A_55 = arith.constant 0 : i32
      %dma_wait3A_56 = arith.constant 0 : i32
      %dma_wait3A_57 = tpu.memref_slice %arg2[%add3A, %dma_wait3A_55, %dma_wait3A_56] : memref<32x80x128xi32, #tpu.memory_space<hbm>> -> memref<1x80x128xi32, #tpu.memory_space<hbm>>
      %dma_wait3A_58 = tpu.memref_squeeze %dma_wait3A_57 : memref<1x80x128xi32, #tpu.memory_space<hbm>> -> memref<80x128xi32, #tpu.memory_space<hbm>>
      tpu.wait_dma2 semaphore(%run_scoped3A_44 : memref<!tpu.dma_semaphore, #tpu.memory_space<semaphore_mem>>) src(%dma_wait3A_58 : memref<80x128xi32, #tpu.memory_space<hbm>>) dst(%arg6 : memref<80x128xi32, #tpu.memory_space<vmem>>)
      tpu.yield
    }) : () -> ()
    %run_scoped3A = arith.constant 0 : i32
    "tpu.region"() ({
      %run_scoped3A_44 = tpu.sem_alloc : memref<!tpu.dma_semaphore, #tpu.memory_space<semaphore_mem>>
      %dma_start3A = arith.constant 0 : i32
      %dma_start3A_45 = arith.constant 0 : i32
      %dma_start3A_46 = tpu.memref_slice %arg3[%add3A, %run_scoped3A, %dma_start3A, %dma_start3A_45] : memref<32x2x40x128xi32, #tpu.memory_space<hbm>> -> memref<1x1x40x128xi32, #tpu.memory_space<hbm>>
      %dma_start3A_47 = tpu.memref_squeeze %dma_start3A_46 : memref<1x1x40x128xi32, #tpu.memory_space<hbm>> -> memref<40x128xi32, #tpu.memory_space<hbm>>
      %dma_start3A_48 = arith.constant 0 : i32
      %dma_start3A_49 = arith.constant 0 : i32
      %dma_start3A_50 = tpu.memref_slice %arg3[%add3A, %run_scoped3A, %dma_start3A_48, %dma_start3A_49] : memref<32x2x40x128xi32, #tpu.memory_space<hbm>> -> memref<1x1x40x128xi32, #tpu.memory_space<hbm>>
      %dma_start3A_51 = tpu.memref_squeeze %dma_start3A_50 : memref<1x1x40x128xi32, #tpu.memory_space<hbm>> -> memref<40x128xi32, #tpu.memory_space<hbm>>
      tpu.enqueue_dma source(%dma_start3A_51 : memref<40x128xi32, #tpu.memory_space<hbm>>) target(%arg7 : memref<40x128xi32, #tpu.memory_space<vmem>>) target_semaphore(%run_scoped3A_44 : memref<!tpu.dma_semaphore, #tpu.memory_space<semaphore_mem>>)
      %dma_wait3A = arith.constant 0 : i32
      %dma_wait3A_52 = arith.constant 0 : i32
      %dma_wait3A_53 = tpu.memref_slice %arg3[%add3A, %run_scoped3A, %dma_wait3A, %dma_wait3A_52] : memref<32x2x40x128xi32, #tpu.memory_space<hbm>> -> memref<1x1x40x128xi32, #tpu.memory_space<hbm>>
      %dma_wait3A_54 = tpu.memref_squeeze %dma_wait3A_53 : memref<1x1x40x128xi32, #tpu.memory_space<hbm>> -> memref<40x128xi32, #tpu.memory_space<hbm>>
      %dma_wait3A_55 = arith.constant 0 : i32
      %dma_wait3A_56 = arith.constant 0 : i32
      %dma_wait3A_57 = tpu.memref_slice %arg3[%add3A, %run_scoped3A, %dma_wait3A_55, %dma_wait3A_56] : memref<32x2x40x128xi32, #tpu.memory_space<hbm>> -> memref<1x1x40x128xi32, #tpu.memory_space<hbm>>
      %dma_wait3A_58 = tpu.memref_squeeze %dma_wait3A_57 : memref<1x1x40x128xi32, #tpu.memory_space<hbm>> -> memref<40x128xi32, #tpu.memory_space<hbm>>
      tpu.wait_dma2 semaphore(%run_scoped3A_44 : memref<!tpu.dma_semaphore, #tpu.memory_space<semaphore_mem>>) src(%dma_wait3A_58 : memref<40x128xi32, #tpu.memory_space<hbm>>) dst(%arg7 : memref<40x128xi32, #tpu.memory_space<vmem>>)
      tpu.yield
    }) : () -> ()
    %scan3A_26 = arith.constant 0 : i32
    %scan3A_27 = arith.constant 0 : i32
    %scan3A_28 = arith.constant 40 : i32
    %scan3A_29 = arith.addi %scan3A_27, %scan3A_28 : i32
    %scan3A_30 = arith.constant 1 : i32
    scf.for %scan3A_44 = %scan3A_27 to %scan3A_29 step %scan3A_30  : i32 {
      %dma_start3A = arith.constant 0 : i32
      %dma_start3A_45 = tpu.memref_slice %arg6[%scan3A_44, %dma_start3A] : memref<80x128xi32, #tpu.memory_space<vmem>> -> memref<1x128xi32, #tpu.memory_space<vmem>>
      %dma_start3A_46 = tpu.memref_squeeze %dma_start3A_45 : memref<1x128xi32, #tpu.memory_space<vmem>> -> memref<128xi32, #tpu.memory_space<vmem>>
      %dma_start3A_47 = arith.constant 0 : i32
      %dma_start3A_48 = arith.constant 0 : i32
      %dma_start3A_49 = tpu.memref_slice %arg4[%dma_start3A_47, %dma_start3A_48] : memref<10000x128xf32, #tpu.memory_space<hbm>> -> memref<10000x128xf32, #tpu.memory_space<hbm>>
      tpu.enqueue_indirect_dma source(%dma_start3A_49 : memref<10000x128xf32, #tpu.memory_space<hbm>>) target(%arg8 : memref<128x128xf32, #tpu.memory_space<vmem>>) offsets(%dma_start3A_46 : memref<128xi32, #tpu.memory_space<vmem>>) semaphore(%arg10 : memref<!tpu.dma_semaphore, #tpu.memory_space<semaphore_mem>>)
      %dma_wait3A = arith.constant 0 : i32
      %dma_wait3A_50 = tpu.memref_slice %arg6[%scan3A_44, %dma_wait3A] : memref<80x128xi32, #tpu.memory_space<vmem>> -> memref<1x128xi32, #tpu.memory_space<vmem>>
      %dma_wait3A_51 = tpu.memref_squeeze %dma_wait3A_50 : memref<1x128xi32, #tpu.memory_space<vmem>> -> memref<128xi32, #tpu.memory_space<vmem>>
      %dma_wait3A_52 = arith.constant 0 : i32
      %dma_wait3A_53 = arith.constant 0 : i32
      %dma_wait3A_54 = tpu.memref_slice %arg4[%dma_wait3A_52, %dma_wait3A_53] : memref<10000x128xf32, #tpu.memory_space<hbm>> -> memref<10000x128xf32, #tpu.memory_space<hbm>>
      tpu.wait_indirect_dma semaphore(%arg10 : memref<!tpu.dma_semaphore, #tpu.memory_space<semaphore_mem>>) src(%dma_wait3A_54 : memref<10000x128xf32, #tpu.memory_space<hbm>>) dst(%arg8 : memref<128x128xf32, #tpu.memory_space<vmem>>)
      %sub3A = arith.constant 0 : i32
      %sub3A_55 = arith.subi %scan3A_44, %sub3A : i32
      "tpu.region"() ({
        %run_scoped3A_56 = tpu.sem_alloc : memref<!tpu.dma_semaphore, #tpu.memory_space<semaphore_mem>>
        %dma_start3A_57 = arith.constant 0 : i32
        %dma_start3A_58 = tpu.memref_slice %arg7[%sub3A_55, %dma_start3A_57] : memref<40x128xi32, #tpu.memory_space<vmem>> -> memref<1x128xi32, #tpu.memory_space<vmem>>
        %dma_start3A_59 = tpu.memref_squeeze %dma_start3A_58 : memref<1x128xi32, #tpu.memory_space<vmem>> -> memref<128xi32, #tpu.memory_space<vmem>>
        %dma_start3A_60 = arith.constant 0 : i32
        %dma_start3A_61 = arith.constant 0 : i32
        %dma_start3A_62 = tpu.memref_slice %arg9[%dma_start3A_60, %dma_start3A_61] : memref<10240x128xf32, #tpu.memory_space<vmem_shared>> -> memref<10240x128xf32, #tpu.memory_space<vmem_shared>>
        tpu.enqueue_indirect_dma source(%arg8 : memref<128x128xf32, #tpu.memory_space<vmem>>) target(%dma_start3A_62 : memref<10240x128xf32, #tpu.memory_space<vmem_shared>>) offsets(%dma_start3A_59 : memref<128xi32, #tpu.memory_space<vmem>>) semaphore(%run_scoped3A_56 : memref<!tpu.dma_semaphore, #tpu.memory_space<semaphore_mem>>) {add = true}
        %dma_wait3A_63 = arith.constant 0 : i32
        %dma_wait3A_64 = tpu.memref_slice %arg7[%sub3A_55, %dma_wait3A_63] : memref<40x128xi32, #tpu.memory_space<vmem>> -> memref<1x128xi32, #tpu.memory_space<vmem>>
        %dma_wait3A_65 = tpu.memref_squeeze %dma_wait3A_64 : memref<1x128xi32, #tpu.memory_space<vmem>> -> memref<128xi32, #tpu.memory_space<vmem>>
        %dma_wait3A_66 = arith.constant 0 : i32
        %dma_wait3A_67 = arith.constant 0 : i32
        %dma_wait3A_68 = tpu.memref_slice %arg9[%dma_wait3A_66, %dma_wait3A_67] : memref<10240x128xf32, #tpu.memory_space<vmem_shared>> -> memref<10240x128xf32, #tpu.memory_space<vmem_shared>>
        tpu.wait_indirect_dma semaphore(%run_scoped3A_56 : memref<!tpu.dma_semaphore, #tpu.memory_space<semaphore_mem>>) src(%arg8 : memref<128x128xf32, #tpu.memory_space<vmem>>) dst(%dma_wait3A_68 : memref<10240x128xf32, #tpu.memory_space<vmem_shared>>)
        tpu.yield
      }) : () -> ()
    }
    %scan3A_31 = arith.constant 40 : i32
    %run_scoped3A_32 = arith.constant 1 : i32
    "tpu.region"() ({
      %run_scoped3A_44 = tpu.sem_alloc : memref<!tpu.dma_semaphore, #tpu.memory_space<semaphore_mem>>
      %dma_start3A = arith.constant 0 : i32
      %dma_start3A_45 = arith.constant 0 : i32
      %dma_start3A_46 = tpu.memref_slice %arg3[%add3A, %run_scoped3A_32, %dma_start3A, %dma_start3A_45] : memref<32x2x40x128xi32, #tpu.memory_space<hbm>> -> memref<1x1x40x128xi32, #tpu.memory_space<hbm>>
      %dma_start3A_47 = tpu.memref_squeeze %dma_start3A_46 : memref<1x1x40x128xi32, #tpu.memory_space<hbm>> -> memref<40x128xi32, #tpu.memory_space<hbm>>
      %dma_start3A_48 = arith.constant 0 : i32
      %dma_start3A_49 = arith.constant 0 : i32
      %dma_start3A_50 = tpu.memref_slice %arg3[%add3A, %run_scoped3A_32, %dma_start3A_48, %dma_start3A_49] : memref<32x2x40x128xi32, #tpu.memory_space<hbm>> -> memref<1x1x40x128xi32, #tpu.memory_space<hbm>>
      %dma_start3A_51 = tpu.memref_squeeze %dma_start3A_50 : memref<1x1x40x128xi32, #tpu.memory_space<hbm>> -> memref<40x128xi32, #tpu.memory_space<hbm>>
      tpu.enqueue_dma source(%dma_start3A_51 : memref<40x128xi32, #tpu.memory_space<hbm>>) target(%arg7 : memref<40x128xi32, #tpu.memory_space<vmem>>) target_semaphore(%run_scoped3A_44 : memref<!tpu.dma_semaphore, #tpu.memory_space<semaphore_mem>>)
      %dma_wait3A = arith.constant 0 : i32
      %dma_wait3A_52 = arith.constant 0 : i32
      %dma_wait3A_53 = tpu.memref_slice %arg3[%add3A, %run_scoped3A_32, %dma_wait3A, %dma_wait3A_52] : memref<32x2x40x128xi32, #tpu.memory_space<hbm>> -> memref<1x1x40x128xi32, #tpu.memory_space<hbm>>
      %dma_wait3A_54 = tpu.memref_squeeze %dma_wait3A_53 : memref<1x1x40x128xi32, #tpu.memory_space<hbm>> -> memref<40x128xi32, #tpu.memory_space<hbm>>
      %dma_wait3A_55 = arith.constant 0 : i32
      %dma_wait3A_56 = arith.constant 0 : i32
      %dma_wait3A_57 = tpu.memref_slice %arg3[%add3A, %run_scoped3A_32, %dma_wait3A_55, %dma_wait3A_56] : memref<32x2x40x128xi32, #tpu.memory_space<hbm>> -> memref<1x1x40x128xi32, #tpu.memory_space<hbm>>
      %dma_wait3A_58 = tpu.memref_squeeze %dma_wait3A_57 : memref<1x1x40x128xi32, #tpu.memory_space<hbm>> -> memref<40x128xi32, #tpu.memory_space<hbm>>
      tpu.wait_dma2 semaphore(%run_scoped3A_44 : memref<!tpu.dma_semaphore, #tpu.memory_space<semaphore_mem>>) src(%dma_wait3A_58 : memref<40x128xi32, #tpu.memory_space<hbm>>) dst(%arg7 : memref<40x128xi32, #tpu.memory_space<vmem>>)
      tpu.yield
    }) : () -> ()
    %scan3A_33 = arith.constant 0 : i32
    %scan3A_34 = arith.constant 40 : i32
    %scan3A_35 = arith.constant 40 : i32
    %scan3A_36 = arith.addi %scan3A_34, %scan3A_35 : i32
    %scan3A_37 = arith.constant 1 : i32
    scf.for %scan3A_44 = %scan3A_34 to %scan3A_36 step %scan3A_37  : i32 {
      %dma_start3A = arith.constant 0 : i32
      %dma_start3A_45 = tpu.memref_slice %arg6[%scan3A_44, %dma_start3A] : memref<80x128xi32, #tpu.memory_space<vmem>> -> memref<1x128xi32, #tpu.memory_space<vmem>>
      %dma_start3A_46 = tpu.memref_squeeze %dma_start3A_45 : memref<1x128xi32, #tpu.memory_space<vmem>> -> memref<128xi32, #tpu.memory_space<vmem>>
      %dma_start3A_47 = arith.constant 0 : i32
      %dma_start3A_48 = arith.constant 0 : i32
      %dma_start3A_49 = tpu.memref_slice %arg4[%dma_start3A_47, %dma_start3A_48] : memref<10000x128xf32, #tpu.memory_space<hbm>> -> memref<10000x128xf32, #tpu.memory_space<hbm>>
      tpu.enqueue_indirect_dma source(%dma_start3A_49 : memref<10000x128xf32, #tpu.memory_space<hbm>>) target(%arg8 : memref<128x128xf32, #tpu.memory_space<vmem>>) offsets(%dma_start3A_46 : memref<128xi32, #tpu.memory_space<vmem>>) semaphore(%arg10 : memref<!tpu.dma_semaphore, #tpu.memory_space<semaphore_mem>>)
      %dma_wait3A = arith.constant 0 : i32
      %dma_wait3A_50 = tpu.memref_slice %arg6[%scan3A_44, %dma_wait3A] : memref<80x128xi32, #tpu.memory_space<vmem>> -> memref<1x128xi32, #tpu.memory_space<vmem>>
      %dma_wait3A_51 = tpu.memref_squeeze %dma_wait3A_50 : memref<1x128xi32, #tpu.memory_space<vmem>> -> memref<128xi32, #tpu.memory_space<vmem>>
      %dma_wait3A_52 = arith.constant 0 : i32
      %dma_wait3A_53 = arith.constant 0 : i32
      %dma_wait3A_54 = tpu.memref_slice %arg4[%dma_wait3A_52, %dma_wait3A_53] : memref<10000x128xf32, #tpu.memory_space<hbm>> -> memref<10000x128xf32, #tpu.memory_space<hbm>>
      tpu.wait_indirect_dma semaphore(%arg10 : memref<!tpu.dma_semaphore, #tpu.memory_space<semaphore_mem>>) src(%dma_wait3A_54 : memref<10000x128xf32, #tpu.memory_space<hbm>>) dst(%arg8 : memref<128x128xf32, #tpu.memory_space<vmem>>)
      %sub3A = arith.constant 40 : i32
      %sub3A_55 = arith.subi %scan3A_44, %sub3A : i32
      "tpu.region"() ({
        %run_scoped3A_56 = tpu.sem_alloc : memref<!tpu.dma_semaphore, #tpu.memory_space<semaphore_mem>>
        %dma_start3A_57 = arith.constant 0 : i32
        %dma_start3A_58 = tpu.memref_slice %arg7[%sub3A_55, %dma_start3A_57] : memref<40x128xi32, #tpu.memory_space<vmem>> -> memref<1x128xi32, #tpu.memory_space<vmem>>
        %dma_start3A_59 = tpu.memref_squeeze %dma_start3A_58 : memref<1x128xi32, #tpu.memory_space<vmem>> -> memref<128xi32, #tpu.memory_space<vmem>>
        %dma_start3A_60 = arith.constant 0 : i32
        %dma_start3A_61 = arith.constant 0 : i32
        %dma_start3A_62 = tpu.memref_slice %arg9[%dma_start3A_60, %dma_start3A_61] : memref<10240x128xf32, #tpu.memory_space<vmem_shared>> -> memref<10240x128xf32, #tpu.memory_space<vmem_shared>>
        tpu.enqueue_indirect_dma source(%arg8 : memref<128x128xf32, #tpu.memory_space<vmem>>) target(%dma_start3A_62 : memref<10240x128xf32, #tpu.memory_space<vmem_shared>>) offsets(%dma_start3A_59 : memref<128xi32, #tpu.memory_space<vmem>>) semaphore(%run_scoped3A_56 : memref<!tpu.dma_semaphore, #tpu.memory_space<semaphore_mem>>) {add = true}
        %dma_wait3A_63 = arith.constant 0 : i32
        %dma_wait3A_64 = tpu.memref_slice %arg7[%sub3A_55, %dma_wait3A_63] : memref<40x128xi32, #tpu.memory_space<vmem>> -> memref<1x128xi32, #tpu.memory_space<vmem>>
        %dma_wait3A_65 = tpu.memref_squeeze %dma_wait3A_64 : memref<1x128xi32, #tpu.memory_space<vmem>> -> memref<128xi32, #tpu.memory_space<vmem>>
        %dma_wait3A_66 = arith.constant 0 : i32
        %dma_wait3A_67 = arith.constant 0 : i32
        %dma_wait3A_68 = tpu.memref_slice %arg9[%dma_wait3A_66, %dma_wait3A_67] : memref<10240x128xf32, #tpu.memory_space<vmem_shared>> -> memref<10240x128xf32, #tpu.memory_space<vmem_shared>>
        tpu.wait_indirect_dma semaphore(%run_scoped3A_56 : memref<!tpu.dma_semaphore, #tpu.memory_space<semaphore_mem>>) src(%arg8 : memref<128x128xf32, #tpu.memory_space<vmem>>) dst(%dma_wait3A_68 : memref<10240x128xf32, #tpu.memory_space<vmem_shared>>)
        tpu.yield
      }) : () -> ()
    }
    %scan3A_38 = arith.constant 40 : i32
    %barrier3A_39 = arith.constant 0 : index
    tpu.barrier barrier_id(%barrier3A_39)
    %mul3A_40 = arith.constant 640 : i32
    %mul3A_41 = arith.muli %arg1, %mul3A_40 : i32
    %mul3A_42 = arith.constant 640 : i32
    %mul3A_43 = arith.muli %arg1, %mul3A_42 : i32
    "tpu.region"() ({
      %run_scoped3A_44 = tpu.sem_alloc : memref<!tpu.dma_semaphore, #tpu.memory_space<semaphore_mem>>
      %dma_start3A = arith.constant 0 : i32
      %dma_start3A_45 = tpu.memref_slice %arg5[%arg0, %mul3A_43, %dma_start3A] : memref<2x10240x128xf32, #tpu.memory_space<hbm>> -> memref<1x640x128xf32, #tpu.memory_space<hbm>>
      %dma_start3A_46 = tpu.memref_squeeze %dma_start3A_45 : memref<1x640x128xf32, #tpu.memory_space<hbm>> -> memref<640x128xf32, #tpu.memory_space<hbm>>
      %dma_start3A_47 = arith.constant 0 : i32
      %dma_start3A_48 = tpu.memref_slice %arg9[%mul3A_41, %dma_start3A_47] : memref<10240x128xf32, #tpu.memory_space<vmem_shared>> -> memref<640x128xf32, #tpu.memory_space<vmem_shared>>
      tpu.enqueue_dma source(%dma_start3A_48 : memref<640x128xf32, #tpu.memory_space<vmem_shared>>) target(%dma_start3A_46 : memref<640x128xf32, #tpu.memory_space<hbm>>) target_semaphore(%run_scoped3A_44 : memref<!tpu.dma_semaphore, #tpu.memory_space<semaphore_mem>>)
      %dma_wait3A = arith.constant 0 : i32
      %dma_wait3A_49 = tpu.memref_slice %arg5[%arg0, %mul3A_43, %dma_wait3A] : memref<2x10240x128xf32, #tpu.memory_space<hbm>> -> memref<1x640x128xf32, #tpu.memory_space<hbm>>
      %dma_wait3A_50 = tpu.memref_squeeze %dma_wait3A_49 : memref<1x640x128xf32, #tpu.memory_space<hbm>> -> memref<640x128xf32, #tpu.memory_space<hbm>>
      %dma_wait3A_51 = arith.constant 0 : i32
      %dma_wait3A_52 = tpu.memref_slice %arg9[%mul3A_41, %dma_wait3A_51] : memref<10240x128xf32, #tpu.memory_space<vmem_shared>> -> memref<640x128xf32, #tpu.memory_space<vmem_shared>>
      tpu.wait_dma2 semaphore(%run_scoped3A_44 : memref<!tpu.dma_semaphore, #tpu.memory_space<semaphore_mem>>) src(%dma_wait3A_52 : memref<640x128xf32, #tpu.memory_space<vmem_shared>>) dst(%dma_wait3A_50 : memref<640x128xf32, #tpu.memory_space<hbm>>)
      tpu.yield
    }) : () -> ()
    return
  }
}

#map = affine_map<(d0, d1) -> (0, 0, 0)>
#map1 = affine_map<(d0, d1) -> (0, 0, 0, 0)>
#map2 = affine_map<(d0, d1) -> (0, 0)>
module attributes {stable_mosaic.version = 14 : i64} {
  func.func @k(%arg0: i32, %arg1: i32, %arg2: memref<32x80x128xi32, #tpu.memory_space<hbm>>, %arg3: memref<32x2x40x128xi32, #tpu.memory_space<hbm>>, %arg4: memref<10000x128xf32, #tpu.memory_space<hbm>>, %arg5: memref<2x10240x128xf32, #tpu.memory_space<hbm>>, %arg6: memref<80x128xi32, #tpu.memory_space<vmem>>, %arg7: memref<40x128xi32, #tpu.memory_space<vmem>>, %arg8: memref<128x128xf32, #tpu.memory_space<vmem>>, %arg9: memref<10240x128xf32, #tpu.memory_space<vmem_shared>>, %arg10: memref<!tpu.dma_semaphore, #tpu.memory_space<semaphore_mem>>) attributes {dimension_semantics = [#tpu.dimension_semantics<core_parallel>, #tpu.dimension_semantics<subcore_parallel>], iteration_bounds = array<i64: 2, 16>, scalar_prefetch = 0 : i64, scratch_operands = 5 : i64, tpu.core_type = #tpu.core_type<sc_vector_subcore>, window_params = [{transform_indices = #map}, {transform_indices = #map1}, {transform_indices = #map2}, {transform_indices = #map}]} {
    %mul3A = arith.constant 16 : i32
    %mul3A_0 = arith.muli %arg0, %mul3A : i32
    %add3A = arith.addi %mul3A_0, %arg1 : i32
    %scan3A = arith.constant 0 : i32
    %scan3A_1 = arith.constant 0 : i32
    %scan3A_2 = arith.constant 1024 : i32
    %scan3A_3 = arith.addi %scan3A_1, %scan3A_2 : i32
    %scan3A_4 = arith.constant 1 : i32
    scf.for %scan3A_44 = %scan3A_1 to %scan3A_3 step %scan3A_4  : i32 {
      %jit3A = arith.constant 8 : i32
      %div3A = arith.divsi %scan3A_44, %jit3A : i32
      %sign3A = arith.constant 0 : i32
      %sign3A_45 = arith.cmpi sgt, %scan3A_44, %sign3A : i32
      %sign3A_46 = arith.extui %sign3A_45 : i1 to i32
      %sign3A_47 = arith.constant 0 : i32
      %sign3A_48 = arith.cmpi slt, %scan3A_44, %sign3A_47 : i32
      %sign3A_49 = arith.extui %sign3A_48 : i1 to i32
      %sign3A_50 = arith.subi %sign3A_46, %sign3A_49 : i32
      %sign3A_51 = arith.constant 0 : i32
      %sign3A_52 = arith.cmpi sgt, %jit3A, %sign3A_51 : i32
      %sign3A_53 = arith.extui %sign3A_52 : i1 to i32
      %sign3A_54 = arith.constant 0 : i32
      %sign3A_55 = arith.cmpi slt, %jit3A, %sign3A_54 : i32
      %sign3A_56 = arith.extui %sign3A_55 : i1 to i32
      %sign3A_57 = arith.subi %sign3A_53, %sign3A_56 : i32
      %ne3A = arith.cmpi ne, %sign3A_50, %sign3A_57 : i32
      %rem3A = arith.remsi %scan3A_44, %jit3A : i32
      %ne3A_58 = arith.constant 0 : i32
      %ne3A_59 = arith.cmpi ne, %rem3A, %ne3A_58 : i32
      %and3A = arith.andi %ne3A, %ne3A_59 : i1
      %sub3A = arith.constant 1 : i32
      %sub3A_60 = arith.subi %div3A, %sub3A : i32
      %select_n3A = arith.select %and3A, %sub3A_60, %div3A : i32
      %jit3A_61 = arith.constant 8 : i32
      %eq3A = arith.constant 0 : i32
      %eq3A_62 = arith.cmpi eq, %jit3A_61, %eq3A : i32
      %jit3A_63 = arith.constant 1 : i32
      %select_n3A_64 = arith.select %eq3A_62, %jit3A_63, %jit3A_61 : i32
      %rem3A_65 = arith.remsi %scan3A_44, %select_n3A_64 : i32
      %ne3A_66 = arith.constant 0 : i32
      %ne3A_67 = arith.cmpi ne, %rem3A_65, %ne3A_66 : i32
      %lt3A = arith.constant 0 : i32
      %lt3A_68 = arith.cmpi slt, %rem3A_65, %lt3A : i32
      %lt3A_69 = arith.constant 0 : i32
      %lt3A_70 = arith.cmpi slt, %select_n3A_64, %lt3A_69 : i32
      %ne3A_71 = arith.xori %lt3A_68, %lt3A_70 : i1
      %and3A_72 = arith.andi %ne3A_71, %ne3A_67 : i1
      %add3A_73 = arith.addi %rem3A_65, %select_n3A_64 : i32
      %select_n3A_74 = arith.select %and3A_72, %add3A_73, %rem3A_65 : i32
      %mul3A_75 = arith.constant 16 : i32
      %mul3A_76 = arith.muli %select_n3A_74, %mul3A_75 : i32
      %broadcast_in_dim3A = arith.constant 0.000000e+00 : f32
      %broadcast_in_dim3A_77 = vector.broadcast %broadcast_in_dim3A : f32 to vector<16xf32>
      %swap3A = arith.index_cast %select_n3A : i32 to index
      %swap3A_78 = arith.index_cast %mul3A_76 : i32 to index
      %swap3A_79 = tpu.vector_load %arg8[%swap3A, %swap3A_78] {strides = array<i32>} : memref<128x128xf32, #tpu.memory_space<vmem>>, vector<1x16xf32>,
      %swap3A_80 = vector.shape_cast %swap3A_79 : vector<1x16xf32> to vector<16xf32>
      %swap3A_81 = vector.shape_cast %broadcast_in_dim3A_77 : vector<16xf32> to vector<1x16xf32>
      tpu.vector_store %arg8[%swap3A, %swap3A_78], %swap3A_81 {strides = array<i32>} : memref<128x128xf32, #tpu.memory_space<vmem>>, vector<1x16xf32>,
    }
    %scan3A_5 = arith.constant 1024 : i32
    %mul3A_6 = arith.constant 640 : i32
    %mul3A_7 = arith.muli %arg1, %mul3A_6 : i32
    %add3A_8 = arith.constant 0 : i32
    %add3A_9 = arith.addi %mul3A_7, %add3A_8 : i32
    "tpu.region"() ({
      %run_scoped3A_44 = tpu.sem_alloc : memref<!tpu.dma_semaphore, #tpu.memory_space<semaphore_mem>>
      %dma_start3A = arith.constant 0 : i32
      %dma_start3A_45 = tpu.memref_slice %arg9[%add3A_9, %dma_start3A] : memref<10240x128xf32, #tpu.memory_space<vmem_shared>> -> memref<128x128xf32, #tpu.memory_space<vmem_shared>>
      %dma_start3A_46 = arith.constant 0 : i32
      %dma_start3A_47 = tpu.memref_slice %arg9[%add3A_9, %dma_start3A_46] : memref<10240x128xf32, #tpu.memory_space<vmem_shared>> -> memref<128x128xf32, #tpu.memory_space<vmem_shared>>
      tpu.enqueue_dma source(%arg8 : memref<128x128xf32, #tpu.memory_space<vmem>>) target(%dma_start3A_47 : memref<128x128xf32, #tpu.memory_space<vmem_shared>>) target_semaphore(%run_scoped3A_44 : memref<!tpu.dma_semaphore, #tpu.memory_space<semaphore_mem>>)
      %dma_wait3A = arith.constant 0 : i32
      %dma_wait3A_48 = tpu.memref_slice %arg9[%add3A_9, %dma_wait3A] : memref<10240x128xf32, #tpu.memory_space<vmem_shared>> -> memref<128x128xf32, #tpu.memory_space<vmem_shared>>
      %dma_wait3A_49 = arith.constant 0 : i32
      %dma_wait3A_50 = tpu.memref_slice %arg9[%add3A_9, %dma_wait3A_49] : memref<10240x128xf32, #tpu.memory_space<vmem_shared>> -> memref<128x128xf32, #tpu.memory_space<vmem_shared>>
      tpu.wait_dma2 semaphore(%run_scoped3A_44 : memref<!tpu.dma_semaphore, #tpu.memory_space<semaphore_mem>>) src(%arg8 : memref<128x128xf32, #tpu.memory_space<vmem>>) dst(%dma_wait3A_50 : memref<128x128xf32, #tpu.memory_space<vmem_shared>>)
      tpu.yield
    }) : () -> ()
    %mul3A_10 = arith.constant 640 : i32
    %mul3A_11 = arith.muli %arg1, %mul3A_10 : i32
    %add3A_12 = arith.constant 128 : i32
    %add3A_13 = arith.addi %mul3A_11, %add3A_12 : i32
    "tpu.region"() ({
      %run_scoped3A_44 = tpu.sem_alloc : memref<!tpu.dma_semaphore, #tpu.memory_space<semaphore_mem>>
      %dma_start3A = arith.constant 0 : i32
      %dma_start3A_45 = tpu.memref_slice %arg9[%add3A_13, %dma_start3A] : memref<10240x128xf32, #tpu.memory_space<vmem_shared>> -> memref<128x128xf32, #tpu.memory_space<vmem_shared>>
      %dma_start3A_46 = arith.constant 0 : i32
      %dma_start3A_47 = tpu.memref_slice %arg9[%add3A_13, %dma_start3A_46] : memref<10240x128xf32, #tpu.memory_space<vmem_shared>> -> memref<128x128xf32, #tpu.memory_space<vmem_shared>>
      tpu.enqueue_dma source(%arg8 : memref<128x128xf32, #tpu.memory_space<vmem>>) target(%dma_start3A_47 : memref<128x128xf32, #tpu.memory_space<vmem_shared>>) target_semaphore(%run_scoped3A_44 : memref<!tpu.dma_semaphore, #tpu.memory_space<semaphore_mem>>)
      %dma_wait3A = arith.constant 0 : i32
      %dma_wait3A_48 = tpu.memref_slice %arg9[%add3A_13, %dma_wait3A] : memref<10240x128xf32, #tpu.memory_space<vmem_shared>> -> memref<128x128xf32, #tpu.memory_space<vmem_shared>>
      %dma_wait3A_49 = arith.constant 0 : i32
      %dma_wait3A_50 = tpu.memref_slice %arg9[%add3A_13, %dma_wait3A_49] : memref<10240x128xf32, #tpu.memory_space<vmem_shared>> -> memref<128x128xf32, #tpu.memory_space<vmem_shared>>
      tpu.wait_dma2 semaphore(%run_scoped3A_44 : memref<!tpu.dma_semaphore, #tpu.memory_space<semaphore_mem>>) src(%arg8 : memref<128x128xf32, #tpu.memory_space<vmem>>) dst(%dma_wait3A_50 : memref<128x128xf32, #tpu.memory_space<vmem_shared>>)
      tpu.yield
    }) : () -> ()
    %mul3A_14 = arith.constant 640 : i32
    %mul3A_15 = arith.muli %arg1, %mul3A_14 : i32
    %add3A_16 = arith.constant 256 : i32
    %add3A_17 = arith.addi %mul3A_15, %add3A_16 : i32
    "tpu.region"() ({
      %run_scoped3A_44 = tpu.sem_alloc : memref<!tpu.dma_semaphore, #tpu.memory_space<semaphore_mem>>
      %dma_start3A = arith.constant 0 : i32
      %dma_start3A_45 = tpu.memref_slice %arg9[%add3A_17, %dma_start3A] : memref<10240x128xf32, #tpu.memory_space<vmem_shared>> -> memref<128x128xf32, #tpu.memory_space<vmem_shared>>
      %dma_start3A_46 = arith.constant 0 : i32
      %dma_start3A_47 = tpu.memref_slice %arg9[%add3A_17, %dma_start3A_46] : memref<10240x128xf32, #tpu.memory_space<vmem_shared>> -> memref<128x128xf32, #tpu.memory_space<vmem_shared>>
      tpu.enqueue_dma source(%arg8 : memref<128x128xf32, #tpu.memory_space<vmem>>) target(%dma_start3A_47 : memref<128x128xf32, #tpu.memory_space<vmem_shared>>) target_semaphore(%run_scoped3A_44 : memref<!tpu.dma_semaphore, #tpu.memory_space<semaphore_mem>>)
      %dma_wait3A = arith.constant 0 : i32
      %dma_wait3A_48 = tpu.memref_slice %arg9[%add3A_17, %dma_wait3A] : memref<10240x128xf32, #tpu.memory_space<vmem_shared>> -> memref<128x128xf32, #tpu.memory_space<vmem_shared>>
      %dma_wait3A_49 = arith.constant 0 : i32
      %dma_wait3A_50 = tpu.memref_slice %arg9[%add3A_17, %dma_wait3A_49] : memref<10240x128xf32, #tpu.memory_space<vmem_shared>> -> memref<128x128xf32, #tpu.memory_space<vmem_shared>>
      tpu.wait_dma2 semaphore(%run_scoped3A_44 : memref<!tpu.dma_semaphore, #tpu.memory_space<semaphore_mem>>) src(%arg8 : memref<128x128xf32, #tpu.memory_space<vmem>>) dst(%dma_wait3A_50 : memref<128x128xf32, #tpu.memory_space<vmem_shared>>)
      tpu.yield
    }) : () -> ()
    %mul3A_18 = arith.constant 640 : i32
    %mul3A_19 = arith.muli %arg1, %mul3A_18 : i32
    %add3A_20 = arith.constant 384 : i32
    %add3A_21 = arith.addi %mul3A_19, %add3A_20 : i32
    "tpu.region"() ({
      %run_scoped3A_44 = tpu.sem_alloc : memref<!tpu.dma_semaphore, #tpu.memory_space<semaphore_mem>>
      %dma_start3A = arith.constant 0 : i32
      %dma_start3A_45 = tpu.memref_slice %arg9[%add3A_21, %dma_start3A] : memref<10240x128xf32, #tpu.memory_space<vmem_shared>> -> memref<128x128xf32, #tpu.memory_space<vmem_shared>>
      %dma_start3A_46 = arith.constant 0 : i32
      %dma_start3A_47 = tpu.memref_slice %arg9[%add3A_21, %dma_start3A_46] : memref<10240x128xf32, #tpu.memory_space<vmem_shared>> -> memref<128x128xf32, #tpu.memory_space<vmem_shared>>
      tpu.enqueue_dma source(%arg8 : memref<128x128xf32, #tpu.memory_space<vmem>>) target(%dma_start3A_47 : memref<128x128xf32, #tpu.memory_space<vmem_shared>>) target_semaphore(%run_scoped3A_44 : memref<!tpu.dma_semaphore, #tpu.memory_space<semaphore_mem>>)
      %dma_wait3A = arith.constant 0 : i32
      %dma_wait3A_48 = tpu.memref_slice %arg9[%add3A_21, %dma_wait3A] : memref<10240x128xf32, #tpu.memory_space<vmem_shared>> -> memref<128x128xf32, #tpu.memory_space<vmem_shared>>
      %dma_wait3A_49 = arith.constant 0 : i32
      %dma_wait3A_50 = tpu.memref_slice %arg9[%add3A_21, %dma_wait3A_49] : memref<10240x128xf32, #tpu.memory_space<vmem_shared>> -> memref<128x128xf32, #tpu.memory_space<vmem_shared>>
      tpu.wait_dma2 semaphore(%run_scoped3A_44 : memref<!tpu.dma_semaphore, #tpu.memory_space<semaphore_mem>>) src(%arg8 : memref<128x128xf32, #tpu.memory_space<vmem>>) dst(%dma_wait3A_50 : memref<128x128xf32, #tpu.memory_space<vmem_shared>>)
      tpu.yield
    }) : () -> ()
    %mul3A_22 = arith.constant 640 : i32
    %mul3A_23 = arith.muli %arg1, %mul3A_22 : i32
    %add3A_24 = arith.constant 512 : i32
    %add3A_25 = arith.addi %mul3A_23, %add3A_24 : i32
    "tpu.region"() ({
      %run_scoped3A_44 = tpu.sem_alloc : memref<!tpu.dma_semaphore, #tpu.memory_space<semaphore_mem>>
      %dma_start3A = arith.constant 0 : i32
      %dma_start3A_45 = tpu.memref_slice %arg9[%add3A_25, %dma_start3A] : memref<10240x128xf32, #tpu.memory_space<vmem_shared>> -> memref<128x128xf32, #tpu.memory_space<vmem_shared>>
      %dma_start3A_46 = arith.constant 0 : i32
      %dma_start3A_47 = tpu.memref_slice %arg9[%add3A_25, %dma_start3A_46] : memref<10240x128xf32, #tpu.memory_space<vmem_shared>> -> memref<128x128xf32, #tpu.memory_space<vmem_shared>>
      tpu.enqueue_dma source(%arg8 : memref<128x128xf32, #tpu.memory_space<vmem>>) target(%dma_start3A_47 : memref<128x128xf32, #tpu.memory_space<vmem_shared>>) target_semaphore(%run_scoped3A_44 : memref<!tpu.dma_semaphore, #tpu.memory_space<semaphore_mem>>)
      %dma_wait3A = arith.constant 0 : i32
      %dma_wait3A_48 = tpu.memref_slice %arg9[%add3A_25, %dma_wait3A] : memref<10240x128xf32, #tpu.memory_space<vmem_shared>> -> memref<128x128xf32, #tpu.memory_space<vmem_shared>>
      %dma_wait3A_49 = arith.constant 0 : i32
      %dma_wait3A_50 = tpu.memref_slice %arg9[%add3A_25, %dma_wait3A_49] : memref<10240x128xf32, #tpu.memory_space<vmem_shared>> -> memref<128x128xf32, #tpu.memory_space<vmem_shared>>
      tpu.wait_dma2 semaphore(%run_scoped3A_44 : memref<!tpu.dma_semaphore, #tpu.memory_space<semaphore_mem>>) src(%arg8 : memref<128x128xf32, #tpu.memory_space<vmem>>) dst(%dma_wait3A_50 : memref<128x128xf32, #tpu.memory_space<vmem_shared>>)
      tpu.yield
    }) : () -> ()
    %barrier3A = arith.constant 0 : index
    tpu.barrier barrier_id(%barrier3A)
    "tpu.region"() ({
      %run_scoped3A_44 = tpu.sem_alloc : memref<!tpu.dma_semaphore, #tpu.memory_space<semaphore_mem>>
      %dma_start3A = arith.constant 0 : i32
      %dma_start3A_45 = arith.constant 0 : i32
      %dma_start3A_46 = tpu.memref_slice %arg2[%add3A, %dma_start3A, %dma_start3A_45] : memref<32x80x128xi32, #tpu.memory_space<hbm>> -> memref<1x80x128xi32, #tpu.memory_space<hbm>>
      %dma_start3A_47 = tpu.memref_squeeze %dma_start3A_46 : memref<1x80x128xi32, #tpu.memory_space<hbm>> -> memref<80x128xi32, #tpu.memory_space<hbm>>
      %dma_start3A_48 = arith.constant 0 : i32
      %dma_start3A_49 = arith.constant 0 : i32
      %dma_start3A_50 = tpu.memref_slice %arg2[%add3A, %dma_start3A_48, %dma_start3A_49] : memref<32x80x128xi32, #tpu.memory_space<hbm>> -> memref<1x80x128xi32, #tpu.memory_space<hbm>>
      %dma_start3A_51 = tpu.memref_squeeze %dma_start3A_50 : memref<1x80x128xi32, #tpu.memory_space<hbm>> -> memref<80x128xi32, #tpu.memory_space<hbm>>
      tpu.enqueue_dma source(%dma_start3A_51 : memref<80x128xi32, #tpu.memory_space<hbm>>) target(%arg6 : memref<80x128xi32, #tpu.memory_space<vmem>>) target_semaphore(%run_scoped3A_44 : memref<!tpu.dma_semaphore, #tpu.memory_space<semaphore_mem>>)
      %dma_wait3A = arith.constant 0 : i32
      %dma_wait3A_52 = arith.constant 0 : i32
      %dma_wait3A_53 = tpu.memref_slice %arg2[%add3A, %dma_wait3A, %dma_wait3A_52] : memref<32x80x128xi32, #tpu.memory_space<hbm>> -> memref<1x80x128xi32, #tpu.memory_space<hbm>>
      %dma_wait3A_54 = tpu.memref_squeeze %dma_wait3A_53 : memref<1x80x128xi32, #tpu.memory_space<hbm>> -> memref<80x128xi32, #tpu.memory_space<hbm>>
      %dma_wait3A_55 = arith.constant 0 : i32
      %dma_wait3A_56 = arith.constant 0 : i32
      %dma_wait3A_57 = tpu.memref_slice %arg2[%add3A, %dma_wait3A_55, %dma_wait3A_56] : memref<32x80x128xi32, #tpu.memory_space<hbm>> -> memref<1x80x128xi32, #tpu.memory_space<hbm>>
      %dma_wait3A_58 = tpu.memref_squeeze %dma_wait3A_57 : memref<1x80x128xi32, #tpu.memory_space<hbm>> -> memref<80x128xi32, #tpu.memory_space<hbm>>
      tpu.wait_dma2 semaphore(%run_scoped3A_44 : memref<!tpu.dma_semaphore, #tpu.memory_space<semaphore_mem>>) src(%dma_wait3A_58 : memref<80x128xi32, #tpu.memory_space<hbm>>) dst(%arg6 : memref<80x128xi32, #tpu.memory_space<vmem>>)
      tpu.yield
    }) : () -> ()
    %run_scoped3A = arith.constant 0 : i32
    "tpu.region"() ({
      %run_scoped3A_44 = tpu.sem_alloc : memref<!tpu.dma_semaphore, #tpu.memory_space<semaphore_mem>>
      %dma_start3A = arith.constant 0 : i32
      %dma_start3A_45 = arith.constant 0 : i32
      %dma_start3A_46 = tpu.memref_slice %arg3[%add3A, %run_scoped3A, %dma_start3A, %dma_start3A_45] : memref<32x2x40x128xi32, #tpu.memory_space<hbm>> -> memref<1x1x40x128xi32, #tpu.memory_space<hbm>>
      %dma_start3A_47 = tpu.memref_squeeze %dma_start3A_46 : memref<1x1x40x128xi32, #tpu.memory_space<hbm>> -> memref<40x128xi32, #tpu.memory_space<hbm>>
      %dma_start3A_48 = arith.constant 0 : i32
      %dma_start3A_49 = arith.constant 0 : i32
      %dma_start3A_50 = tpu.memref_slice %arg3[%add3A, %run_scoped3A, %dma_start3A_48, %dma_start3A_49] : memref<32x2x40x128xi32, #tpu.memory_space<hbm>> -> memref<1x1x40x128xi32, #tpu.memory_space<hbm>>
      %dma_start3A_51 = tpu.memref_squeeze %dma_start3A_50 : memref<1x1x40x128xi32, #tpu.memory_space<hbm>> -> memref<40x128xi32, #tpu.memory_space<hbm>>
      tpu.enqueue_dma source(%dma_start3A_51 : memref<40x128xi32, #tpu.memory_space<hbm>>) target(%arg7 : memref<40x128xi32, #tpu.memory_space<vmem>>) target_semaphore(%run_scoped3A_44 : memref<!tpu.dma_semaphore, #tpu.memory_space<semaphore_mem>>)
      %dma_wait3A = arith.constant 0 : i32
      %dma_wait3A_52 = arith.constant 0 : i32
      %dma_wait3A_53 = tpu.memref_slice %arg3[%add3A, %run_scoped3A, %dma_wait3A, %dma_wait3A_52] : memref<32x2x40x128xi32, #tpu.memory_space<hbm>> -> memref<1x1x40x128xi32, #tpu.memory_space<hbm>>
      %dma_wait3A_54 = tpu.memref_squeeze %dma_wait3A_53 : memref<1x1x40x128xi32, #tpu.memory_space<hbm>> -> memref<40x128xi32, #tpu.memory_space<hbm>>
      %dma_wait3A_55 = arith.constant 0 : i32
      %dma_wait3A_56 = arith.constant 0 : i32
      %dma_wait3A_57 = tpu.memref_slice %arg3[%add3A, %run_scoped3A, %dma_wait3A_55, %dma_wait3A_56] : memref<32x2x40x128xi32, #tpu.memory_space<hbm>> -> memref<1x1x40x128xi32, #tpu.memory_space<hbm>>
      %dma_wait3A_58 = tpu.memref_squeeze %dma_wait3A_57 : memref<1x1x40x128xi32, #tpu.memory_space<hbm>> -> memref<40x128xi32, #tpu.memory_space<hbm>>
      tpu.wait_dma2 semaphore(%run_scoped3A_44 : memref<!tpu.dma_semaphore, #tpu.memory_space<semaphore_mem>>) src(%dma_wait3A_58 : memref<40x128xi32, #tpu.memory_space<hbm>>) dst(%arg7 : memref<40x128xi32, #tpu.memory_space<vmem>>)
      tpu.yield
    }) : () -> ()
    %scan3A_26 = arith.constant 0 : i32
    %scan3A_27 = arith.constant 0 : i32
    %scan3A_28 = arith.constant 40 : i32
    %scan3A_29 = arith.addi %scan3A_27, %scan3A_28 : i32
    %scan3A_30 = arith.constant 1 : i32
    scf.for %scan3A_44 = %scan3A_27 to %scan3A_29 step %scan3A_30  : i32 {
      %dma_start3A = arith.constant 0 : i32
      %dma_start3A_45 = tpu.memref_slice %arg6[%scan3A_44, %dma_start3A] : memref<80x128xi32, #tpu.memory_space<vmem>> -> memref<1x128xi32, #tpu.memory_space<vmem>>
      %dma_start3A_46 = tpu.memref_squeeze %dma_start3A_45 : memref<1x128xi32, #tpu.memory_space<vmem>> -> memref<128xi32, #tpu.memory_space<vmem>>
      %dma_start3A_47 = arith.constant 0 : i32
      %dma_start3A_48 = arith.constant 0 : i32
      %dma_start3A_49 = tpu.memref_slice %arg4[%dma_start3A_47, %dma_start3A_48] : memref<10000x128xf32, #tpu.memory_space<hbm>> -> memref<10000x128xf32, #tpu.memory_space<hbm>>
      tpu.enqueue_indirect_dma source(%dma_start3A_49 : memref<10000x128xf32, #tpu.memory_space<hbm>>) target(%arg8 : memref<128x128xf32, #tpu.memory_space<vmem>>) offsets(%dma_start3A_46 : memref<128xi32, #tpu.memory_space<vmem>>) semaphore(%arg10 : memref<!tpu.dma_semaphore, #tpu.memory_space<semaphore_mem>>)
      %dma_wait3A = arith.constant 0 : i32
      %dma_wait3A_50 = tpu.memref_slice %arg6[%scan3A_44, %dma_wait3A] : memref<80x128xi32, #tpu.memory_space<vmem>> -> memref<1x128xi32, #tpu.memory_space<vmem>>
      %dma_wait3A_51 = tpu.memref_squeeze %dma_wait3A_50 : memref<1x128xi32, #tpu.memory_space<vmem>> -> memref<128xi32, #tpu.memory_space<vmem>>
      %dma_wait3A_52 = arith.constant 0 : i32
      %dma_wait3A_53 = arith.constant 0 : i32
      %dma_wait3A_54 = tpu.memref_slice %arg4[%dma_wait3A_52, %dma_wait3A_53] : memref<10000x128xf32, #tpu.memory_space<hbm>> -> memref<10000x128xf32, #tpu.memory_space<hbm>>
      tpu.wait_indirect_dma semaphore(%arg10 : memref<!tpu.dma_semaphore, #tpu.memory_space<semaphore_mem>>) src(%dma_wait3A_54 : memref<10000x128xf32, #tpu.memory_space<hbm>>) dst(%arg8 : memref<128x128xf32, #tpu.memory_space<vmem>>)
      %sub3A = arith.constant 0 : i32
      %sub3A_55 = arith.subi %scan3A_44, %sub3A : i32
      "tpu.region"() ({
        %run_scoped3A_56 = tpu.sem_alloc : memref<!tpu.dma_semaphore, #tpu.memory_space<semaphore_mem>>
        %dma_start3A_57 = arith.constant 0 : i32
        %dma_start3A_58 = tpu.memref_slice %arg7[%sub3A_55, %dma_start3A_57] : memref<40x128xi32, #tpu.memory_space<vmem>> -> memref<1x128xi32, #tpu.memory_space<vmem>>
        %dma_start3A_59 = tpu.memref_squeeze %dma_start3A_58 : memref<1x128xi32, #tpu.memory_space<vmem>> -> memref<128xi32, #tpu.memory_space<vmem>>
        %dma_start3A_60 = arith.constant 0 : i32
        %dma_start3A_61 = arith.constant 0 : i32
        %dma_start3A_62 = tpu.memref_slice %arg9[%dma_start3A_60, %dma_start3A_61] : memref<10240x128xf32, #tpu.memory_space<vmem_shared>> -> memref<10240x128xf32, #tpu.memory_space<vmem_shared>>
        tpu.enqueue_indirect_dma source(%arg8 : memref<128x128xf32, #tpu.memory_space<vmem>>) target(%dma_start3A_62 : memref<10240x128xf32, #tpu.memory_space<vmem_shared>>) offsets(%dma_start3A_59 : memref<128xi32, #tpu.memory_space<vmem>>) semaphore(%run_scoped3A_56 : memref<!tpu.dma_semaphore, #tpu.memory_space<semaphore_mem>>) {add = true}
        %dma_wait3A_63 = arith.constant 0 : i32
        %dma_wait3A_64 = tpu.memref_slice %arg7[%sub3A_55, %dma_wait3A_63] : memref<40x128xi32, #tpu.memory_space<vmem>> -> memref<1x128xi32, #tpu.memory_space<vmem>>
        %dma_wait3A_65 = tpu.memref_squeeze %dma_wait3A_64 : memref<1x128xi32, #tpu.memory_space<vmem>> -> memref<128xi32, #tpu.memory_space<vmem>>
        %dma_wait3A_66 = arith.constant 0 : i32
        %dma_wait3A_67 = arith.constant 0 : i32
        %dma_wait3A_68 = tpu.memref_slice %arg9[%dma_wait3A_66, %dma_wait3A_67] : memref<10240x128xf32, #tpu.memory_space<vmem_shared>> -> memref<10240x128xf32, #tpu.memory_space<vmem_shared>>
        tpu.wait_indirect_dma semaphore(%run_scoped3A_56 : memref<!tpu.dma_semaphore, #tpu.memory_space<semaphore_mem>>) src(%arg8 : memref<128x128xf32, #tpu.memory_space<vmem>>) dst(%dma_wait3A_68 : memref<10240x128xf32, #tpu.memory_space<vmem_shared>>)
        tpu.yield
      }) : () -> ()
    }
    %scan3A_31 = arith.constant 40 : i32
    %run_scoped3A_32 = arith.constant 1 : i32
    "tpu.region"() ({
      %run_scoped3A_44 = tpu.sem_alloc : memref<!tpu.dma_semaphore, #tpu.memory_space<semaphore_mem>>
      %dma_start3A = arith.constant 0 : i32
      %dma_start3A_45 = arith.constant 0 : i32
      %dma_start3A_46 = tpu.memref_slice %arg3[%add3A, %run_scoped3A_32, %dma_start3A, %dma_start3A_45] : memref<32x2x40x128xi32, #tpu.memory_space<hbm>> -> memref<1x1x40x128xi32, #tpu.memory_space<hbm>>
      %dma_start3A_47 = tpu.memref_squeeze %dma_start3A_46 : memref<1x1x40x128xi32, #tpu.memory_space<hbm>> -> memref<40x128xi32, #tpu.memory_space<hbm>>
      %dma_start3A_48 = arith.constant 0 : i32
      %dma_start3A_49 = arith.constant 0 : i32
      %dma_start3A_50 = tpu.memref_slice %arg3[%add3A, %run_scoped3A_32, %dma_start3A_48, %dma_start3A_49] : memref<32x2x40x128xi32, #tpu.memory_space<hbm>> -> memref<1x1x40x128xi32, #tpu.memory_space<hbm>>
      %dma_start3A_51 = tpu.memref_squeeze %dma_start3A_50 : memref<1x1x40x128xi32, #tpu.memory_space<hbm>> -> memref<40x128xi32, #tpu.memory_space<hbm>>
      tpu.enqueue_dma source(%dma_start3A_51 : memref<40x128xi32, #tpu.memory_space<hbm>>) target(%arg7 : memref<40x128xi32, #tpu.memory_space<vmem>>) target_semaphore(%run_scoped3A_44 : memref<!tpu.dma_semaphore, #tpu.memory_space<semaphore_mem>>)
      %dma_wait3A = arith.constant 0 : i32
      %dma_wait3A_52 = arith.constant 0 : i32
      %dma_wait3A_53 = tpu.memref_slice %arg3[%add3A, %run_scoped3A_32, %dma_wait3A, %dma_wait3A_52] : memref<32x2x40x128xi32, #tpu.memory_space<hbm>> -> memref<1x1x40x128xi32, #tpu.memory_space<hbm>>
      %dma_wait3A_54 = tpu.memref_squeeze %dma_wait3A_53 : memref<1x1x40x128xi32, #tpu.memory_space<hbm>> -> memref<40x128xi32, #tpu.memory_space<hbm>>
      %dma_wait3A_55 = arith.constant 0 : i32
      %dma_wait3A_56 = arith.constant 0 : i32
      %dma_wait3A_57 = tpu.memref_slice %arg3[%add3A, %run_scoped3A_32, %dma_wait3A_55, %dma_wait3A_56] : memref<32x2x40x128xi32, #tpu.memory_space<hbm>> -> memref<1x1x40x128xi32, #tpu.memory_space<hbm>>
      %dma_wait3A_58 = tpu.memref_squeeze %dma_wait3A_57 : memref<1x1x40x128xi32, #tpu.memory_space<hbm>> -> memref<40x128xi32, #tpu.memory_space<hbm>>
      tpu.wait_dma2 semaphore(%run_scoped3A_44 : memref<!tpu.dma_semaphore, #tpu.memory_space<semaphore_mem>>) src(%dma_wait3A_58 : memref<40x128xi32, #tpu.memory_space<hbm>>) dst(%arg7 : memref<40x128xi32, #tpu.memory_space<vmem>>)
      tpu.yield
    }) : () -> ()
    %scan3A_33 = arith.constant 0 : i32
    %scan3A_34 = arith.constant 40 : i32
    %scan3A_35 = arith.constant 40 : i32
    %scan3A_36 = arith.addi %scan3A_34, %scan3A_35 : i32
    %scan3A_37 = arith.constant 1 : i32
    scf.for %scan3A_44 = %scan3A_34 to %scan3A_36 step %scan3A_37  : i32 {
      %dma_start3A = arith.constant 0 : i32
      %dma_start3A_45 = tpu.memref_slice %arg6[%scan3A_44, %dma_start3A] : memref<80x128xi32, #tpu.memory_space<vmem>> -> memref<1x128xi32, #tpu.memory_space<vmem>>
      %dma_start3A_46 = tpu.memref_squeeze %dma_start3A_45 : memref<1x128xi32, #tpu.memory_space<vmem>> -> memref<128xi32, #tpu.memory_space<vmem>>
      %dma_start3A_47 = arith.constant 0 : i32
      %dma_start3A_48 = arith.constant 0 : i32
      %dma_start3A_49 = tpu.memref_slice %arg4[%dma_start3A_47, %dma_start3A_48] : memref<10000x128xf32, #tpu.memory_space<hbm>> -> memref<10000x128xf32, #tpu.memory_space<hbm>>
      tpu.enqueue_indirect_dma source(%dma_start3A_49 : memref<10000x128xf32, #tpu.memory_space<hbm>>) target(%arg8 : memref<128x128xf32, #tpu.memory_space<vmem>>) offsets(%dma_start3A_46 : memref<128xi32, #tpu.memory_space<vmem>>) semaphore(%arg10 : memref<!tpu.dma_semaphore, #tpu.memory_space<semaphore_mem>>)
      %dma_wait3A = arith.constant 0 : i32
      %dma_wait3A_50 = tpu.memref_slice %arg6[%scan3A_44, %dma_wait3A] : memref<80x128xi32, #tpu.memory_space<vmem>> -> memref<1x128xi32, #tpu.memory_space<vmem>>
      %dma_wait3A_51 = tpu.memref_squeeze %dma_wait3A_50 : memref<1x128xi32, #tpu.memory_space<vmem>> -> memref<128xi32, #tpu.memory_space<vmem>>
      %dma_wait3A_52 = arith.constant 0 : i32
      %dma_wait3A_53 = arith.constant 0 : i32
      %dma_wait3A_54 = tpu.memref_slice %arg4[%dma_wait3A_52, %dma_wait3A_53] : memref<10000x128xf32, #tpu.memory_space<hbm>> -> memref<10000x128xf32, #tpu.memory_space<hbm>>
      tpu.wait_indirect_dma semaphore(%arg10 : memref<!tpu.dma_semaphore, #tpu.memory_space<semaphore_mem>>) src(%dma_wait3A_54 : memref<10000x128xf32, #tpu.memory_space<hbm>>) dst(%arg8 : memref<128x128xf32, #tpu.memory_space<vmem>>)
      %sub3A = arith.constant 40 : i32
      %sub3A_55 = arith.subi %scan3A_44, %sub3A : i32
      "tpu.region"() ({
        %run_scoped3A_56 = tpu.sem_alloc : memref<!tpu.dma_semaphore, #tpu.memory_space<semaphore_mem>>
        %dma_start3A_57 = arith.constant 0 : i32
        %dma_start3A_58 = tpu.memref_slice %arg7[%sub3A_55, %dma_start3A_57] : memref<40x128xi32, #tpu.memory_space<vmem>> -> memref<1x128xi32, #tpu.memory_space<vmem>>
        %dma_start3A_59 = tpu.memref_squeeze %dma_start3A_58 : memref<1x128xi32, #tpu.memory_space<vmem>> -> memref<128xi32, #tpu.memory_space<vmem>>
        %dma_start3A_60 = arith.constant 0 : i32
        %dma_start3A_61 = arith.constant 0 : i32
        %dma_start3A_62 = tpu.memref_slice %arg9[%dma_start3A_60, %dma_start3A_61] : memref<10240x128xf32, #tpu.memory_space<vmem_shared>> -> memref<10240x128xf32, #tpu.memory_space<vmem_shared>>
        tpu.enqueue_indirect_dma source(%arg8 : memref<128x128xf32, #tpu.memory_space<vmem>>) target(%dma_start3A_62 : memref<10240x128xf32, #tpu.memory_space<vmem_shared>>) offsets(%dma_start3A_59 : memref<128xi32, #tpu.memory_space<vmem>>) semaphore(%run_scoped3A_56 : memref<!tpu.dma_semaphore, #tpu.memory_space<semaphore_mem>>) {add = true}
        %dma_wait3A_63 = arith.constant 0 : i32
        %dma_wait3A_64 = tpu.memref_slice %arg7[%sub3A_55, %dma_wait3A_63] : memref<40x128xi32, #tpu.memory_space<vmem>> -> memref<1x128xi32, #tpu.memory_space<vmem>>
        %dma_wait3A_65 = tpu.memref_squeeze %dma_wait3A_64 : memref<1x128xi32, #tpu.memory_space<vmem>> -> memref<128xi32, #tpu.memory_space<vmem>>
        %dma_wait3A_66 = arith.constant 0 : i32
        %dma_wait3A_67 = arith.constant 0 : i32
        %dma_wait3A_68 = tpu.memref_slice %arg9[%dma_wait3A_66, %dma_wait3A_67] : memref<10240x128xf32, #tpu.memory_space<vmem_shared>> -> memref<10240x128xf32, #tpu.memory_space<vmem_shared>>
        tpu.wait_indirect_dma semaphore(%run_scoped3A_56 : memref<!tpu.dma_semaphore, #tpu.memory_space<semaphore_mem>>) src(%arg8 : memref<128x128xf32, #tpu.memory_space<vmem>>) dst(%dma_wait3A_68 : memref<10240x128xf32, #tpu.memory_space<vmem_shared>>)
        tpu.yield
      }) : () -> ()
    }
    %scan3A_38 = arith.constant 40 : i32
    %barrier3A_39 = arith.constant 0 : index
    tpu.barrier barrier_id(%barrier3A_39)
    %mul3A_40 = arith.constant 640 : i32
    %mul3A_41 = arith.muli %arg1, %mul3A_40 : i32
    %mul3A_42 = arith.constant 640 : i32
    %mul3A_43 = arith.muli %arg1, %mul3A_42 : i32
    "tpu.region"() ({
      %run_scoped3A_44 = tpu.sem_alloc : memref<!tpu.dma_semaphore, #tpu.memory_space<semaphore_mem>>
      %dma_start3A = arith.constant 0 : i32
      %dma_start3A_45 = tpu.memref_slice %arg5[%arg0, %mul3A_43, %dma_start3A] : memref<2x10240x128xf32, #tpu.memory_space<hbm>> -> memref<1x640x128xf32, #tpu.memory_space<hbm>>
      %dma_start3A_46 = tpu.memref_squeeze %dma_start3A_45 : memref<1x640x128xf32, #tpu.memory_space<hbm>> -> memref<640x128xf32, #tpu.memory_space<hbm>>
      %dma_start3A_47 = arith.constant 0 : i32
      %dma_start3A_48 = tpu.memref_slice %arg9[%mul3A_41, %dma_start3A_47] : memref<10240x128xf32, #tpu.memory_space<vmem_shared>> -> memref<640x128xf32, #tpu.memory_space<vmem_shared>>
      tpu.enqueue_dma source(%dma_start3A_48 : memref<640x128xf32, #tpu.memory_space<vmem_shared>>) target(%dma_start3A_46 : memref<640x128xf32, #tpu.memory_space<hbm>>) target_semaphore(%run_scoped3A_44 : memref<!tpu.dma_semaphore, #tpu.memory_space<semaphore_mem>>)
      %dma_wait3A = arith.constant 0 : i32
      %dma_wait3A_49 = tpu.memref_slice %arg5[%arg0, %mul3A_43, %dma_wait3A] : memref<2x10240x128xf32, #tpu.memory_space<hbm>> -> memref<1x640x128xf32, #tpu.memory_space<hbm>>
      %dma_wait3A_50 = tpu.memref_squeeze %dma_wait3A_49 : memref<1x640x128xf32, #tpu.memory_space<hbm>> -> memref<640x128xf32, #tpu.memory_space<hbm>>
      %dma_wait3A_51 = arith.constant 0 : i32
      %dma_wait3A_52 = tpu.memref_slice %arg9[%mul3A_41, %dma_wait3A_51] : memref<10240x128xf32, #tpu.memory_space<vmem_shared>> -> memref<640x128xf32, #tpu.memory_space<vmem_shared>>
      tpu.wait_dma2 semaphore(%run_scoped3A_44 : memref<!tpu.dma_semaphore, #tpu.memory_space<semaphore_mem>>) src(%dma_wait3A_52 : memref<640x128xf32, #tpu.memory_space<vmem_shared>>) dst(%dma_wait3A_50 : memref<640x128xf32, #tpu.memory_space<hbm>>)
      tpu.yield
    }) : () -> ()
    return
  }
}

module attributes {stable_mosaic.version = 14 : i64} {
  func.func @body(%arg0: i32, %arg1: memref<1000x128xf32, #tpu.memory_space<vmem>>, %arg2: memref<128x128xf32, #tpu.memory_space<vmem>>, %arg3: memref<1x128xf32, #tpu.memory_space<vmem>>, %arg4: memref<1x1000x128xf32, #tpu.memory_space<vmem>>, %arg5: memref<1x1000x128xf32, #tpu.memory_space<vmem>>, %arg6: memref<128x128xf32, #tpu.memory_space<vmem>>, %arg7: memref<1000x128xf32, #tpu.memory_space<vmem>>, %arg8: memref<1000x128xf32, #tpu.memory_space<vmem>>) attributes {dimension_semantics = [#tpu.dimension_semantics<arbitrary>], iteration_bounds = array<i64: 10>, scalar_prefetch = 0 : i64, scratch_operands = 0 : i64, tpu.core_type = #tpu.core_type<tc>, window_params = [{transform_indices = @transform_0, window_bounds = array<i64: 1000, 128>}, {pipeline_mode = #tpu.pipeline_mode<synchronous>, transform_indices = @transform_1, window_bounds = array<i64: 128, 128>}, {pipeline_mode = #tpu.pipeline_mode<synchronous>, transform_indices = @transform_2, window_bounds = array<i64: 1, 128>}, {transform_indices = @transform_3, window_bounds = array<i64: 1, 1000, 128>}, {transform_indices = @transform_4, window_bounds = array<i64: 1, 1000, 128>}, {pipeline_mode = #tpu.pipeline_mode<synchronous>, transform_indices = @transform_5, window_bounds = array<i64: 128, 128>}, {transform_indices = @transform_6, window_bounds = array<i64: 1000, 128>}, {transform_indices = @transform_7, window_bounds = array<i64: 1000, 128>}]} {
    %get3A = arith.constant 0 : index
    %get3A_0 = arith.constant 0 : index
    %get3A_1 = vector.load %arg1[%get3A, %get3A_0] : memref<1000x128xf32, #tpu.memory_space<vmem>>, vector<1000x128xf32>
    %get3A_2 = arith.constant 0 : index
    %get3A_3 = arith.constant 0 : index
    %get3A_4 = vector.load %arg2[%get3A_2, %get3A_3] : memref<128x128xf32, #tpu.memory_space<vmem>>, vector<128x128xf32>
    %dot_general3A = arith.constant dense<0.000000e+00> : vector<1000x128xf32>
    %dot_general3A_5 = tpu.matmul %get3A_1, %get3A_4, %dot_general3A {dimension_numbers = #tpu.dot_dimension_numbers<[1], [0], [0], [1], [0, 0, 1, 1], [], []>, transpose_lhs_hint = false} : vector<1000x128xf32>, vector<128x128xf32>, vector<1000x128xf32> -> vector<1000x128xf32>
    %get3A_6 = arith.constant 0 : index
    %get3A_7 = arith.constant 0 : index
    %get3A_8 = arith.constant 0 : index
    %get3A_9 = vector.load %arg4[%get3A_6, %get3A_7, %get3A_8] : memref<1x1000x128xf32, #tpu.memory_space<vmem>>, vector<1x1000x128xf32>
    %get3A_10 = vector.shape_cast %get3A_9 : vector<1x1000x128xf32> to vector<1000x128xf32>
    %add3A = arith.addf %dot_general3A_5, %get3A_10 : vector<1000x128xf32>
    %get3A_11 = arith.constant 0 : index
    %get3A_12 = arith.constant 0 : index
    %get3A_13 = arith.constant 0 : index
    %get3A_14 = vector.load %arg5[%get3A_11, %get3A_12, %get3A_13] : memref<1x1000x128xf32, #tpu.memory_space<vmem>>, vector<1x1000x128xf32>
    %get3A_15 = vector.shape_cast %get3A_14 : vector<1x1000x128xf32> to vector<1000x128xf32>
    %add3A_16 = arith.addf %add3A, %get3A_15 : vector<1000x128xf32>
    %get3A_17 = arith.constant 0 : index
    %get3A_18 = arith.constant 0 : index
    %get3A_19 = vector.load %arg3[%get3A_17, %get3A_18] : memref<1x128xf32, #tpu.memory_space<vmem>>, vector<1x128xf32>
    %add3A_20 = vector.broadcast %get3A_19 : vector<1x128xf32> to vector<1000x128xf32>
    %add3A_21 = arith.addf %add3A_16, %add3A_20 : vector<1000x128xf32>
    %max3A = arith.constant 0.000000e+00 : f32
    %max3A_22 = vector.broadcast %max3A : f32 to vector<1000x128xf32>
    %max3A_23 = arith.maximumf %add3A_21, %max3A_22 : vector<1000x128xf32>
    %swap3A = arith.constant 0 : index
    %swap3A_24 = arith.constant 0 : index
    %swap3A_25 = vector.load %arg7[%swap3A, %swap3A_24] : memref<1000x128xf32, #tpu.memory_space<vmem>>, vector<1000x128xf32>
    tpu.vector_store %arg7[%swap3A, %swap3A_24], %max3A_23 {strides = array<i32>} : memref<1000x128xf32, #tpu.memory_space<vmem>>, vector<1000x128xf32>,
    %get3A_26 = arith.constant 0 : index
    %get3A_27 = arith.constant 0 : index
    %get3A_28 = vector.load %arg6[%get3A_26, %get3A_27] : memref<128x128xf32, #tpu.memory_space<vmem>>, vector<128x128xf32>
    %dot_general3A_29 = arith.constant dense<0.000000e+00> : vector<1000x128xf32>
    %dot_general3A_30 = tpu.matmul %max3A_23, %get3A_28, %dot_general3A_29 {dimension_numbers = #tpu.dot_dimension_numbers<[1], [0], [0], [1], [0, 0, 1, 1], [], []>, transpose_lhs_hint = false} : vector<1000x128xf32>, vector<128x128xf32>, vector<1000x128xf32> -> vector<1000x128xf32>
    %swap3A_31 = arith.constant 0 : index
    %swap3A_32 = arith.constant 0 : index
    %swap3A_33 = vector.load %arg8[%swap3A_31, %swap3A_32] : memref<1000x128xf32, #tpu.memory_space<vmem>>, vector<1000x128xf32>
    tpu.vector_store %arg8[%swap3A_31, %swap3A_32], %dot_general3A_30 {strides = array<i32>} : memref<1000x128xf32, #tpu.memory_space<vmem>>, vector<1000x128xf32>,
    return
  }
  func.func @transform_0(%arg0: i32) -> (i32, i32) {
    %c0_i32 = arith.constant 0 : i32
    %c0_i32_0 = arith.constant 0 : i32
    return %arg0, %c0_i32 : i32, i32
  }
  func.func @transform_1(%arg0: i32) -> (i32, i32) {
    %c0_i32 = arith.constant 0 : i32
    %c0_i32_0 = arith.constant 0 : i32
    %c0_i32_1 = arith.constant 0 : i32
    return %c0_i32, %c0_i32_0 : i32, i32
  }
  func.func @transform_2(%arg0: i32) -> (i32, i32) {
    %c0_i32 = arith.constant 0 : i32
    %c0_i32_0 = arith.constant 0 : i32
    %c0_i32_1 = arith.constant 0 : i32
    return %c0_i32, %c0_i32_0 : i32, i32
  }
  func.func @transform_3(%arg0: i32) -> (i32, i32, i32) {
    %c0_i32 = arith.constant 0 : i32
    %c0_i32_0 = arith.constant 0 : i32
    %c0_i32_1 = arith.constant 0 : i32
    return %c0_i32, %arg0, %c0_i32_0 : i32, i32, i32
  }
  func.func @transform_4(%arg0: i32) -> (i32, i32, i32) {
    %c1_i32 = arith.constant 1 : i32
    %c0_i32 = arith.constant 0 : i32
    %c0_i32_0 = arith.constant 0 : i32
    return %c1_i32, %arg0, %c0_i32 : i32, i32, i32
  }
  func.func @transform_5(%arg0: i32) -> (i32, i32) {
    %c0_i32 = arith.constant 0 : i32
    %c0_i32_0 = arith.constant 0 : i32
    %c0_i32_1 = arith.constant 0 : i32
    return %c0_i32, %c0_i32_0 : i32, i32
  }
  func.func @transform_6(%arg0: i32) -> (i32, i32) {
    %c0_i32 = arith.constant 0 : i32
    %c0_i32_0 = arith.constant 0 : i32
    return %arg0, %c0_i32 : i32, i32
  }
  func.func @transform_7(%arg0: i32) -> (i32, i32) {
    %c0_i32 = arith.constant 0 : i32
    %c0_i32_0 = arith.constant 0 : i32
    return %arg0, %c0_i32 : i32, i32
  }
}

module attributes {stable_mosaic.version = 14 : i64} {
  func.func @body(%arg0: i32, %arg1: memref<1000x128xf32, #tpu.memory_space<vmem>>, %arg2: memref<128x128xf32, #tpu.memory_space<vmem>>, %arg3: memref<1000x128xf32, #tpu.memory_space<vmem>>) attributes {dimension_semantics = [#tpu.dimension_semantics<arbitrary>], iteration_bounds = array<i64: 10>, scalar_prefetch = 0 : i64, scratch_operands = 0 : i64, tpu.core_type = #tpu.core_type<tc>, window_params = [{transform_indices = @transform_0, window_bounds = array<i64: 1000, 128>}, {pipeline_mode = #tpu.pipeline_mode<synchronous>, transform_indices = @transform_1, window_bounds = array<i64: 128, 128>}, {transform_indices = @transform_2, window_bounds = array<i64: 1000, 128>}]} {
    %get3A = arith.constant 0 : index
    %get3A_0 = arith.constant 0 : index
    %get3A_1 = vector.load %arg1[%get3A, %get3A_0] : memref<1000x128xf32, #tpu.memory_space<vmem>>, vector<1000x128xf32>
    %get3A_2 = arith.constant 0 : index
    %get3A_3 = arith.constant 0 : index
    %get3A_4 = vector.load %arg2[%get3A_2, %get3A_3] : memref<128x128xf32, #tpu.memory_space<vmem>>, vector<128x128xf32>
    %dot_general3A = arith.constant dense<0.000000e+00> : vector<1000x128xf32>
    %dot_general3A_5 = tpu.matmul %get3A_1, %get3A_4, %dot_general3A {dimension_numbers = #tpu.dot_dimension_numbers<[1], [0], [0], [1], [0, 0, 1, 1], [], []>, transpose_lhs_hint = false} : vector<1000x128xf32>, vector<128x128xf32>, vector<1000x128xf32> -> vector<1000x128xf32>
    %swap3A = arith.constant 0 : index
    %swap3A_6 = arith.constant 0 : index
    %swap3A_7 = vector.load %arg3[%swap3A, %swap3A_6] : memref<1000x128xf32, #tpu.memory_space<vmem>>, vector<1000x128xf32>
    tpu.vector_store %arg3[%swap3A, %swap3A_6], %dot_general3A_5 {strides = array<i32>} : memref<1000x128xf32, #tpu.memory_space<vmem>>, vector<1000x128xf32>,
    return
  }
  func.func @transform_0(%arg0: i32) -> (i32, i32) {
    %c0_i32 = arith.constant 0 : i32
    %c0_i32_0 = arith.constant 0 : i32
    return %arg0, %c0_i32 : i32, i32
  }
  func.func @transform_1(%arg0: i32) -> (i32, i32) {
    %c0_i32 = arith.constant 0 : i32
    %c0_i32_0 = arith.constant 0 : i32
    %c0_i32_1 = arith.constant 0 : i32
    return %c0_i32, %c0_i32_0 : i32, i32
  }
  func.func @transform_2(%arg0: i32) -> (i32, i32) {
    %c0_i32 = arith.constant 0 : i32
    %c0_i32_0 = arith.constant 0 : i32
    return %arg0, %c0_i32 : i32, i32
  }
}

module attributes {stable_mosaic.version = 14 : i64} {
  func.func @body(%arg0: i32, %arg1: memref<1000x128xf32, #tpu.memory_space<vmem>>, %arg2: memref<128x128xf32, #tpu.memory_space<vmem>>, %arg3: memref<1x128xf32, #tpu.memory_space<vmem>>, %arg4: memref<1x1000x128xf32, #tpu.memory_space<vmem>>, %arg5: memref<1x1000x128xf32, #tpu.memory_space<vmem>>, %arg6: memref<1000x128xf32, #tpu.memory_space<vmem>>) attributes {dimension_semantics = [#tpu.dimension_semantics<arbitrary>], iteration_bounds = array<i64: 10>, scalar_prefetch = 0 : i64, scratch_operands = 0 : i64, tpu.core_type = #tpu.core_type<tc>, window_params = [{transform_indices = @transform_0, window_bounds = array<i64: 1000, 128>}, {pipeline_mode = #tpu.pipeline_mode<synchronous>, transform_indices = @transform_1, window_bounds = array<i64: 128, 128>}, {pipeline_mode = #tpu.pipeline_mode<synchronous>, transform_indices = @transform_2, window_bounds = array<i64: 1, 128>}, {transform_indices = @transform_3, window_bounds = array<i64: 1, 1000, 128>}, {transform_indices = @transform_4, window_bounds = array<i64: 1, 1000, 128>}, {transform_indices = @transform_5, window_bounds = array<i64: 1000, 128>}]} {
    %get3A = arith.constant 0 : index
    %get3A_0 = arith.constant 0 : index
    %get3A_1 = vector.load %arg1[%get3A, %get3A_0] : memref<1000x128xf32, #tpu.memory_space<vmem>>, vector<1000x128xf32>
    %get3A_2 = arith.constant 0 : index
    %get3A_3 = arith.constant 0 : index
    %get3A_4 = vector.load %arg2[%get3A_2, %get3A_3] : memref<128x128xf32, #tpu.memory_space<vmem>>, vector<128x128xf32>
    %dot_general3A = arith.constant dense<0.000000e+00> : vector<1000x128xf32>
    %dot_general3A_5 = tpu.matmul %get3A_1, %get3A_4, %dot_general3A {dimension_numbers = #tpu.dot_dimension_numbers<[1], [0], [0], [1], [0, 0, 1, 1], [], []>, transpose_lhs_hint = false} : vector<1000x128xf32>, vector<128x128xf32>, vector<1000x128xf32> -> vector<1000x128xf32>
    %get3A_6 = arith.constant 0 : index
    %get3A_7 = arith.constant 0 : index
    %get3A_8 = arith.constant 0 : index
    %get3A_9 = vector.load %arg4[%get3A_6, %get3A_7, %get3A_8] : memref<1x1000x128xf32, #tpu.memory_space<vmem>>, vector<1x1000x128xf32>
    %get3A_10 = vector.shape_cast %get3A_9 : vector<1x1000x128xf32> to vector<1000x128xf32>
    %add3A = arith.addf %dot_general3A_5, %get3A_10 : vector<1000x128xf32>
    %get3A_11 = arith.constant 0 : index
    %get3A_12 = arith.constant 0 : index
    %get3A_13 = arith.constant 0 : index
    %get3A_14 = vector.load %arg5[%get3A_11, %get3A_12, %get3A_13] : memref<1x1000x128xf32, #tpu.memory_space<vmem>>, vector<1x1000x128xf32>
    %get3A_15 = vector.shape_cast %get3A_14 : vector<1x1000x128xf32> to vector<1000x128xf32>
    %add3A_16 = arith.addf %add3A, %get3A_15 : vector<1000x128xf32>
    %get3A_17 = arith.constant 0 : index
    %get3A_18 = arith.constant 0 : index
    %get3A_19 = vector.load %arg3[%get3A_17, %get3A_18] : memref<1x128xf32, #tpu.memory_space<vmem>>, vector<1x128xf32>
    %add3A_20 = vector.broadcast %get3A_19 : vector<1x128xf32> to vector<1000x128xf32>
    %add3A_21 = arith.addf %add3A_16, %add3A_20 : vector<1000x128xf32>
    %max3A = arith.constant 0.000000e+00 : f32
    %max3A_22 = vector.broadcast %max3A : f32 to vector<1000x128xf32>
    %max3A_23 = arith.maximumf %add3A_21, %max3A_22 : vector<1000x128xf32>
    %swap3A = arith.constant 0 : index
    %swap3A_24 = arith.constant 0 : index
    %swap3A_25 = vector.load %arg6[%swap3A, %swap3A_24] : memref<1000x128xf32, #tpu.memory_space<vmem>>, vector<1000x128xf32>
    tpu.vector_store %arg6[%swap3A, %swap3A_24], %max3A_23 {strides = array<i32>} : memref<1000x128xf32, #tpu.memory_space<vmem>>, vector<1000x128xf32>,
    return
  }
  func.func @transform_0(%arg0: i32) -> (i32, i32) {
    %c0_i32 = arith.constant 0 : i32
    %c0_i32_0 = arith.constant 0 : i32
    return %arg0, %c0_i32 : i32, i32
  }
  func.func @transform_1(%arg0: i32) -> (i32, i32) {
    %c0_i32 = arith.constant 0 : i32
    %c0_i32_0 = arith.constant 0 : i32
    %c0_i32_1 = arith.constant 0 : i32
    return %c0_i32, %c0_i32_0 : i32, i32
  }
  func.func @transform_2(%arg0: i32) -> (i32, i32) {
    %c0_i32 = arith.constant 0 : i32
    %c0_i32_0 = arith.constant 0 : i32
    %c0_i32_1 = arith.constant 0 : i32
    return %c0_i32, %c0_i32_0 : i32, i32
  }
  func.func @transform_3(%arg0: i32) -> (i32, i32, i32) {
    %c0_i32 = arith.constant 0 : i32
    %c0_i32_0 = arith.constant 0 : i32
    %c0_i32_1 = arith.constant 0 : i32
    return %c0_i32, %arg0, %c0_i32_0 : i32, i32, i32
  }
  func.func @transform_4(%arg0: i32) -> (i32, i32, i32) {
    %c1_i32 = arith.constant 1 : i32
    %c0_i32 = arith.constant 0 : i32
    %c0_i32_0 = arith.constant 0 : i32
    return %c1_i32, %arg0, %c0_i32 : i32, i32, i32
  }
  func.func @transform_5(%arg0: i32) -> (i32, i32) {
    %c0_i32 = arith.constant 0 : i32
    %c0_i32_0 = arith.constant 0 : i32
    return %arg0, %c0_i32 : i32, i32
  }
}

</mosaic_0001>

<sc_bundles>
// kernel: kernel.10.cloned.1.call-start
scs
__scs_entry_jumppad:
0x0: {  	(pc) =	sbr.rel $0x88, $3  }
0x1: {  	(tag) =	ssettag $0x0;
	lr =	simm.s32 $0x1  }
0x2: {  	[smem:$0x3F99] =	sst lr;
	_ =	strace $0xD0000000  }
0x3: {  	_ = 	snop  }
0x4: {  	_ = 	snop  }
0x5: {  	_ = 	snop  }
0x6: {  	_ = 	snop  }
0x7: {  	_ = 	snop  }
__scs_overlays_trampoline_lowered:
0x8: {  	[smem:$0x3FA8] =	sst s0  }
0x9: {  	[smem:$0x3FA9] =	sst s1  }
0xa: {  	[smem:$0x3FAA] =	sst s2  }
0xb: {  	[smem:$0x3FAB] =	sst s3  }
0xc: {  	[smem:$0x3FAC] =	sst s4  }
0xd: {  	[smem:$0x3FAD] =	sst s5  }
0xe: {  	[smem:$0x3FAE] =	sst s6  }
0xf: {  	[smem:$0x3FAF] =	sst s7  }
0x10: {  	[smem:$0x3FB0] =	sst s8  }
0x11: {  	[smem:$0x3FB1] =	sst s9;
	s0 =	simm.s32 @!p0 $0x0  }
0x12: {  	s1 =	sld [smem:$0x3F97];
	s0 =	simm.s32 @p0 $0x1  }
0x13: {  	[smem:$0x3FB2] =	sst s0;
	s0 =	simm.s32 @!p1 $0x0  }
0x14: {  	s2 =	sld [smem:$0x3F96];
	s0 =	simm.s32 @p1 $0x1  }
0x15: {  	[smem:$0x3FB3] =	sst s0;
	s0 =	simm.s32 @!p2 $0x0  }
0x16: {  	s3 =	sld [smem:$0x3FDB];
	s0 =	simm.s32 @p2 $0x1  }
0x17: {  	s4 =	simm.s32 $0x1BF5;
	[smem:$0x3FB5] =	sst s0  }
0x18: {  	s0 =	sld [smem:$0x3F98];
	_ =	swait.ge [sflag:s4], $0x0  }
0x19: {  	s7 =	sld [smem:$0x3F99]  }
0x1a: {  	s8 =	sadd.s32 $0xFFFFE003, lr  }
0x1b: {  	s9 =	sadd.s32 $0xFFFFFEF7, lr;
	s5 =	simm.s32 $0xFFFFFFFF;
	p2 =	slt.u32 s8, $0xFFFFF086  }
0x1c: {  	p1 =	slt.u32 s9, $0xF7A;
	s5 =	simm.s32 @!p2 $0x0  }
0x1d: {  	s5 =	simm.s32 @p1 $0x1;
	p0 =	seq.s32 s7, s2  }
0x1e: {  	s7 =	smul.u32 @!p0 $0xF7A, s2;
	p2 =	seq.s32 @!p0 s5, $0x0  }
0x1f: {  	s9 =	smul.u32 $0xF7A, s1;
	s8 =	simm.s32 @!p0 $0x1BF5;
	p2 =	por !p2, p0  }
0x20: {  	[sflag:s8] =	ssyncset.s32 @!p0 $0xFFFFF086;
	s6 =	sadd.s32 @!p0 s3, s7;
	s7 =	simm.s32 @!p0 $0x108  }
0x21: {  	s3 =	sadd.s32 s3, s9;
	s6 =	sadd.s32 @!p0 $0x88, s6;
	s7 =	simm.s32 @p2 $0x1082  }
0x22: {  	[simem:s7], [sflag:s8] =	dma.local @!p0 [hbm:s6], $0xF7A  }
0x23: {  	s9 =	sor.u32 $0xD0000000, s2;
	s6 =	simm.s32 $0x108;
	_ =	swait.ge @!p0 [sflag:s8], $0x0  }
0x24: {  	s3 =	sadd.s32 $0x88, s3;
	s6 =	simm.s32 @!p1 $0x1082;
	[sflag:s4] =	ssyncset.s32 $0xFFFFF086  }
0x25: {  	[simem:s6], [sflag:s4] =	dma.local [hbm:s3], $0xF7A  }
0x26: {  	[smem:$0x3F99] =	sst s1;
	(tag) =	ssettag s2;
	_ =	strace s9  }
0x27: {  	s1 =	sld [smem:$0x3FA9]  }
0x28: {  	s2 =	sld [smem:$0x3FAA]  }
0x29: {  	s4 =	sld [smem:$0x3FAC]  }
0x2a: {  	p0 =	seq.s32 s5, $0x0;
	s5 =	sld [smem:$0x3FAD]  }
0x2b: {  	s6 =	sld [smem:$0x3FAE]  }
0x2c: {  	s7 =	sld [smem:$0x3FAF]  }
0x2d: {  	s3 =	simm.s32 $0x108;
	s8 =	sld [smem:$0x3FB0]  }
0x2e: {  	s3 =	simm.s32 @!p0 $0x1082;
	s9 =	sld [smem:$0x3FB1]  }
0x2f: {  	lr =	sadd.s32 s0, s3;
	s0 =	sld [smem:$0x3FA8]  }
0x30: {  	s3 =	sld [smem:$0x3FAB]  }
0x31: {  	[smem:$0x3FB4] =	sst s10  }
0x32: {  	s10 =	sld [smem:$0x3FB2];
	_ =	sdelay $0x3  }
0x33: {  	p0 =	seq.s32 s10, $0x1;
	s10 =	sld [smem:$0x3FB4];
	_ =	sdelay $0x3  }
0x34: {  	[smem:$0x3FB4] =	sst s10  }
0x35: {  	s10 =	sld [smem:$0x3FB3];
	_ =	sdelay $0x3  }
0x36: {  	p1 =	seq.s32 s10, $0x1;
	s10 =	sld [smem:$0x3FB4];
	_ =	sdelay $0x3  }
0x37: {  	[smem:$0x3FB4] =	sst s10  }
0x38: {  	s10 =	sld [smem:$0x3FB5]  }
0x39: {  	_ = 	snop;
	(pc) =	sbr.ind lr, $3  }
0x3a: {  	_ = 	snop  }
0x3b: {  	_ = 	snop  }
0x3c: {  	p2 =	seq.s32 s10, $0x1;
	s10 =	sld [smem:$0x3FB4]  }
0x3d: {  	_ =	shalt  }
0x3e: {  	_ =	shalt  }
0x3f: {  	_ =	shalt  }
0x40: {  	_ =	shalt  }
0x41: {  	_ =	shalt  }
0x42: {  	_ =	shalt  }
0x43: {  	_ =	shalt  }
0x44: {  	_ =	shalt  }
0x45: {  	_ =	shalt  }
0x46: {  	_ =	shalt  }
0x47: {  	_ =	shalt  }
0x48: {  	_ =	shalt  }
0x49: {  	_ =	shalt  }
0x4a: {  	_ =	shalt  }
0x4b: {  	_ =	shalt  }
0x4c: {  	_ =	shalt  }
0x4d: {  	_ =	shalt  }
0x4e: {  	_ =	shalt  }
0x4f: {  	_ =	shalt  }
0x50: {  	_ =	shalt  }
0x51: {  	_ =	shalt  }
0x52: {  	_ =	shalt  }
0x53: {  	_ =	shalt  }
0x54: {  	_ =	shalt  }
0x55: {  	_ =	shalt  }
0x56: {  	_ =	shalt  }
0x57: {  	_ =	shalt  }
0x58: {  	_ =	shalt  }
0x59: {  	_ =	shalt  }
0x5a: {  	_ =	shalt  }
0x5b: {  	_ =	shalt  }
0x5c: {  	_ =	shalt  }
0x5d: {  	_ =	shalt  }
0x5e: {  	_ =	shalt  }
0x5f: {  	_ =	shalt  }
0x60: {  	_ =	shalt  }
0x61: {  	_ =	shalt  }
0x62: {  	_ =	shalt  }
0x63: {  	_ =	shalt  }
0x64: {  	_ =	shalt  }
0x65: {  	_ =	shalt  }
0x66: {  	_ =	shalt  }
0x67: {  	_ =	shalt  }
0x68: {  	_ =	shalt  }
0x69: {  	_ =	shalt  }
0x6a: {  	_ =	shalt  }
0x6b: {  	_ =	shalt  }
0x6c: {  	_ =	shalt  }
0x6d: {  	_ =	shalt  }
0x6e: {  	_ =	shalt  }
0x6f: {  	_ =	shalt  }
0x70: {  	_ =	shalt  }
0x71: {  	_ =	shalt  }
0x72: {  	_ =	shalt  }
0x73: {  	_ =	shalt  }
0x74: {  	_ =	shalt  }
0x75: {  	_ =	shalt  }
0x76: {  	_ =	shalt  }
0x77: {  	_ =	shalt  }
0x78: {  	_ =	shalt  }
0x79: {  	_ =	shalt  }
0x7a: {  	_ =	shalt  }
0x7b: {  	_ =	shalt  }
0x7c: {  	_ =	shalt  }
0x7d: {  	_ =	shalt  }
0x7e: {  	_ =	shalt  }
0x7f: {  	_ =	shalt  }
0x80: {  	_ =	shalt  }
0x81: {  	_ =	shalt  }
0x82: {  	_ =	shalt  }
0x83: {  	_ =	shalt  }
0x84: {  	_ =	shalt  }
0x85: {  	_ =	shalt  }
0x86: {  	_ =	shalt  }
0x87: {  	_ =	shalt  }
.Lfunc_end0:
.L_simem_size_0:
called_computation.1_lowered:
.L_overlay_start_0:
0x88: {  	s2 =	sld [smem:$0x3FD9]  }
0x89: {  	s3 =	sld [smem:$0x3FFE];
	_ =	sdelay $0x1  }
0x8a: {  	s1 =	srdreg.scid  }
0x8b: {  	s0 =	sand.u32 $0x1, s1  }
0x8c: {  	s17 =	sshll.u32 s0, $0xA;
	s2 =	sadd.s32 s3, s2  }
0x8d: {  	s2 =	sadd.s32 s2, s17  }
0x8e: {  	[smem:$0x3FC0] =	sst s2  }
0x8f: {  	_ = 	snop  }
0x90: {  	s2 =	sld [smem:$0x3FD0];
	(tm) =	ssettm $0x1  }
0x91: {  	s18 =	sld [smem:$0x3FFB];
	_ =	sdelay $0x3  }
0x92: {  	_ =	strace s18  }
0x93: {  	s3 =	sld [smem:$0x3FFC];
	_ =	sdelay $0x3  }
0x94: {  	_ =	strace s3  }
0x95: {  	s3 =	sld [smem:$0x3FFD];
	_ =	sdelay $0x3  }
0x96: {  	_ =	strace s3  }
0x97: {  	_ =	strace $0x8FFFFFFF  }
0x98: {  	s19 =	sld [smem:$0x3FDB];
	_ =	sdelay $0x1  }
0x99: {  	s4 =	simm.s32 $_scs_section_size  }
0x9a: {  	s5 =	simm.s32 $_size__tile_overlayer_lowered;
	s6 =	simm.s32 $_tile_overlayer_lowered  }
0x9b: {  	s22 =	simm.s32 $0x1BFF;
	s21 =	sshll.u32 s6, $0x1;
	s3 =	sadd.s32 s4, s19  }
0x9c: {  	s7 =	simm.s32 $0x0;
	s20 =	sshll.u32 s5, $0x1;
	s5 =	sadd.s32 s21, s3  }
0x9d: {  	[timem:s7], [sflag:s22] =	dma.local [hbm:s5], s20  }
0x9e: {  	_ =	swait.ge [sflag:s22], s20  }
0x9f: {  	s4 =	ssub.s32 $0x0, s20;
	[sflag:s22] =	ssyncset.done $0x0  }
0xa0: {  	[sflag:s22] =	ssyncadd.s32 s4;
	_ =	sdelay $0x1  }
0xa1: {  	s23 =	simm.s32 $0x1B8B  }
0xa2: {  	_ =	swait.ge [sflag:s23], $0x1  }
0xa3: {  	[sflag:s23] =	ssyncset.done $0x0  }
0xa4: {  	s25 =	simm.s32 $0x1B8E;
	s24 =	sld [smem:$0x3FFE];
	[sflag:s23] =	ssyncadd.s32 $0xFFFFFFFF  }
0xa5: {  	s26 =	simm.s32 $execute0_lowered;
	[smem:$0x3FD2] =	sst s25  }
0xa6: {  	s5 =	sshll.u32 s26, $0x1;
	_ =	strace $0x80000049;
	[dreg:$0x1] =	wrdreg $0xFFFFFFFF  }
0xa7: {  	s28 =	simm.s32 $_size_execute0_lowered;
	s3 =	sadd.s32 s3, s5;
	[dreg:$0x0] =	wrdreg $0x0  }
0xa8: {  	s5 =	sshll.u32 s28, $0x1;
	[dreg:$0x2] =	wrdreg s3  }
0xa9: {  	[dreg:$0x3] =	wrdreg s5  }
0xaa: {  	[dreg:$0x4] =	wrdreg $0xC0  }
0xab: {  	_ =	task [dreg:s7], $0x5FFFF  }
0xac: {  	[dreg:$0x1] =	wrdreg $0xFFFFFFFF  }
0xad: {  	[dreg:$0x0] =	wrdreg $0x60  }
0xae: {  	[dreg:$0x2] =	wrdreg s24  }
0xaf: {  	[dreg:$0x3] =	wrdreg s2  }
0xb0: {  	[dreg:$0x4] =	wrdreg $0x7C000  }
0xb1: {  	[dreg:$0x5] =	wrdreg $0x9  }
0xb2: {  	_ =	task.clear_ibuf [dreg:s7], $0x6FFFF;
	_ =	strace $0x90000049  }
0xb3: {  	s29 =	simm.s32 $0x9;
	_ =	strace $0x8000004B  }
0xb4: {  	_ =	swait.ge [sflag:s29], $0x1  }
0xb5: {  	[sflag:s29] =	ssyncadd.s32 $0xFFFFFFFF  }
0xb6: {  	_ =	strace $0x9000004B  }
0xb7: {  	_ =	sfence  }
0xb8: {  	s30 =	sld [smem:$0x0];
	_ =	sdelay $0x2  }
0xb9: {  	s31 =	sshll.u32 s1, $0xD;
	s1 =	sshrl.u32 s1, $0x2  }
0xba: {  	s3 =	sand.u32 $0x4000, s31;
	s1 =	sadd.s32 s1, s30  }
0xbb: {  	s0 =	sor.u32 s3, s0;
	s1 =	sshll.u32 s1, $0x11  }
0xbc: {  	s0 =	sor.u32 s1, s0  }
0xbd: {  	s0 =	sadd.s32 $0x8F2B, s0  }
0xbe: {  	[sflag:s0] =	ssyncadd.remote.s32 $0x1  }
0xbf: {  	_ =	sfence.sel $0xFFFF  }
0xc0: {  	[dreg:$0x0] =	wrdreg $0xFFFFFFFF;
	(pc) =	sbr.abs _section_cstart, $3  }
0xc1: {  	[dreg:$0x1] =	wrdreg $0xFFFFFFFF  }
0xc2: {  	_ =	task.clear_ibuf [dreg:s7], $0x2FFFF;
	_ =	strace $0x9FFFFFFF  }
0xc3: {  	(tm) =	ssettm $0x7FFFFFFF  }
tec
execute0_lowered:
.L_overlay_start_1:
0x0: {  	(tag) =	ssettag $0x1  }
0x1: {  	s6 =	rddreg [dreg:$0x0]  }
0x2: {  	s2 =	rddreg [dreg:$0x1]  }
0x3: {  	s0 =	srdreg.scid;
	s3 =	rddreg [dreg:$0x2]  }
0x4: {  	s4 =	simm.s32 $0x0;
	s15 =	simm.s32 $0x3C00;
	s16 =	simm.s32 $0x2  }
0x5: {  	s17 =	simm.s32 $0x2800;
	s18 =	simm.s32 $0x80;
	s5 =	sand.u32 $0x1, s0  }
0x6: {  	s19 =	simm.s32 $0x1;
	s0 =	stileid.u32;
	s8 =	smul.u32 $0x140000, s5  }
0x7: {  	s21 =	simm.s32 $0x0;
	[smem:$0x7FF] =	sst s4;
	s9 =	smul.u32 $0x14000, s0  }
0x8: {  	s1 =	sshll.u32 s5, $0x4;
	s10 =	smul.u32 $0x50000, s0;
	s29 =	ssub.s32 $0x2, s5  }
0x9: {  	s20 =	sshll.u32 s0, $0x6;
	s1 =	sor.u32 s0, s1;
	s31 =	sshrl.u32 s29, $0x1  }
0xa: {  	s20 =	sor.u32 $0x1C02, s20;
	s7 =	smul.u32 $0x2800, s1;
	s1 =	rddreg [dreg:$0x3]  }
0xb: {  	_ =	strace $0x8000004A;
	s28 =	sadd.s32 s9, s8;
	s30 =	sshrl.u32 s10, $0x2  }
0xc: {  	s14 =	ssub.s32 s29, s31;
	s5 =	sadd.s32 s30, s3;
	s7 =	sshrl.u32 s7, $0x3  }
0xd: {  	s14 =	smax.u32 s14, $0x1;
	s12 =	sadd.s32 s7, s6;
	s7 =	sshrl.u32 s28, $0x3  }
0xe: {  	s8 =	sadd.s32 $0xC000, s5;
	s9 =	sadd.s32 $0x10000, s5;
	s13 =	sadd.s32 s7, s6  }
0xf: {  	s6 =	sadd.s32 $0x4000, s5;
	s7 =	sadd.s32 $0x8000, s5;
	s10 =	sadd.s32 $0xB600, s12  }
0x10: {  	v0 =	vimm.f32 $0.0e+00;
	s11 =	sadd.s32 $0x1600, s12;
	s12 =	sadd.s32 $0x1880, s12;
	s13 =	sadd.s32 $0x15600, s13  }
.LBB2_1:
0x11: {  	s22 =	sand.u32 $0xFE00, s4  }
0x12: {  	s23 =	sand.u32 $0x70, s4;
	s24 =	sshrl.u32 s22, $0x2  }
0x13: {  	s22 =	simm.s32 $0x40;
	s24 =	sor.u32 s23, s24;
	s23 =	simm.s32 $0x0  }
.LBB2_2:
0x14: {  	p0 =	sne.s32 s22, $0xFFC0  }
0x15: {  	[tilespmem:s24+$0x3C00] =	vst v0;
	s23 =	sadd.s32 $0x10, s23;
	s24 =	smov.u32 s22;
	s22 =	sadd.s32 $0x40, s22  }
.Ltmp0:
0x16: {  	(pc) =	sbr.rel @p0 .LBB2_2-.Ltmp0, $4  }
0x17: {  	_ = 	snop  }
0x18: {  	s24 =	sand.u32 $0xFE00, s24  }
0x19: {  	s25 =	sand.u32 $0x70, s23;
	s24 =	sshrl.u32 s24, $0x2  }
0x1a: {  	s24 =	sor.u32 s25, s24  }
0x1b: {  	[tilespmem:s24+$0x3C00] =	vst v0  }
0x1c: {  	[spmem:s5] =	stream.linear.scatter [tilespmem:s15], [sflag:$0x2], $0x4000, $0x38;
	[tilespmem:$0x1BC00] =	vst v63  }
0x1d: {  	_ =	swait.ge [sflag:s16], $0x4000  }
0x1e: {  	[sflag:s16] =	ssyncset.done $0x0  }
0x1f: {  	[sflag:s16] =	ssyncadd.s32 $0xFFFFC000  }
0x20: {  	[spmem:s6] =	stream.linear.scatter [tilespmem:s15], [sflag:$0x2], $0x4000, $0x38;
	[tilespmem:$0x1BC00] =	vst v63  }
0x21: {  	_ =	swait.ge [sflag:s16], $0x4000  }
0x22: {  	[sflag:s16] =	ssyncset.done $0x0  }
0x23: {  	[sflag:s16] =	ssyncadd.s32 $0xFFFFC000  }
0x24: {  	[spmem:s7] =	stream.linear.scatter [tilespmem:s15], [sflag:$0x2], $0x4000, $0x38;
	[tilespmem:$0x1BC00] =	vst v63  }
0x25: {  	_ =	swait.ge [sflag:s16], $0x4000  }
0x26: {  	[sflag:s16] =	ssyncset.done $0x0  }
0x27: {  	[sflag:s16] =	ssyncadd.s32 $0xFFFFC000  }
0x28: {  	[spmem:s8] =	stream.linear.scatter [tilespmem:s15], [sflag:$0x2], $0x4000, $0x38;
	[tilespmem:$0x1BC00] =	vst v63  }
0x29: {  	_ =	swait.ge [sflag:s16], $0x4000  }
0x2a: {  	[sflag:s16] =	ssyncset.done $0x0  }
0x2b: {  	[sflag:s16] =	ssyncadd.s32 $0xFFFFC000  }
0x2c: {  	[spmem:s9] =	stream.linear.scatter [tilespmem:s15], [sflag:$0x2], $0x4000, $0x38;
	[tilespmem:$0x1BC00] =	vst v63  }
0x2d: {  	_ =	swait.ge [sflag:s16], $0x4000  }
0x2e: {  	[sflag:s16] =	ssyncset.done $0x0  }
0x2f: {  	[sflag:s16] =	ssyncadd.s32 $0xFFFFC000  }
0x30: {  	s22 =	simm.s32 $0x0;
	[bflag:$0x0] =	sbarrier.arrive $0xFFFF  }
0x31: {  	[tilespmem:s22], [sflag:$0x2] =	stream.linear.gather [hbm4b:s10+s22], $0x2800, $0x38;
	[tilespmem:$0x1BC00] =	vst v63  }
0x32: {  	_ =	swait.ge [sflag:s16], $0x2800  }
0x33: {  	[sflag:s16] =	ssyncset.done $0x0  }
0x34: {  	[sflag:s16] =	ssyncadd.s32 $0xFFFFD800  }
0x35: {  	[tilespmem:s17], [sflag:$0x2] =	stream.linear.gather [hbm4b:s11+s22], $0x1400, $0x38;
	[tilespmem:$0x1BC00] =	vst v63  }
0x36: {  	_ =	swait.ge [sflag:s16], $0x1400  }
0x37: {  	[sflag:s16] =	ssyncset.done $0x0  }
0x38: {  	s30 =	simm.s32 $0x0;
	[sflag:s16] =	ssyncadd.s32 $0xFFFFEC00  }
0x39: {  	[tilespmem:s15], [sflag:$0x1] =	stream.indirect.gather [hbm4b:s2+s18], $0x80, s30, s18, $0xb8;
	[tilespmem:$0x1BC00] =	vst v63  }
0x3a: {  	_ =	swait.ge [sflag:s19], $0x4000  }
0x3b: {  	[sflag:s19] =	ssyncset.done $0x0  }
0x3c: {  	s31 =	simm.s32 $0x2800;
	[sflag:s19] =	ssyncadd.s32 $0xFFFFC000  }
0x3d: {  	[spmem:s3] =	stream.indirect.scatter.add.f32 [tilespmem:s15], [sflag:$0x2], $0x80, s31, s18, $0xb8;
	[tilespmem:$0x1BC00] =	vst v63  }
0x3e: {  	_ =	swait.ge [sflag:s16], $0x4000  }
0x3f: {  	s23 =	simm.s32 $0x400;
	s22 =	simm.s32 $0x200;
	[sflag:s16] =	ssyncset.done $0x0  }
.LBB2_4:
0x40: {  	s24 =	sshra.s32 s22, $0x2  }
0x41: {  	[sflag:s16] =	ssyncadd.s32 $0xFFFFC000;
	s22 =	smov.u32 s23;
	s25 =	sadd.s32 $0x200, s23  }
0x42: {  	[tilespmem:s15], [sflag:$0x1] =	stream.indirect.gather [hbm4b:s2+s18], $0x80, s24, s18, $0xb8;
	[tilespmem:$0x1BC00] =	vst v63  }
0x43: {  	p0 =	sne.s32 s23, $0x4E00;
	_ =	swait.ge [sflag:s19], $0x4000  }
.Ltmp1:
0x44: {  	[sflag:s19] =	ssyncset.done $0x0;
	(pc) =	sbr.rel @p0 .LBB2_4-.Ltmp1, $4  }
0x45: {  	s23 =	sadd.s32 $0x2800, s24;
	[sflag:s19] =	ssyncadd.s32 $0xFFFFC000  }
0x46: {  	[spmem:s3] =	stream.indirect.scatter.add.f32 [tilespmem:s15], [sflag:$0x2], $0x80, s23, s18, $0xb8;
	[tilespmem:$0x1BC00] =	vst v63  }
0x47: {  	_ =	swait.ge [sflag:s16], $0x4000  }
0x48: {  	s23 =	smov.u32 s25;
	[sflag:s16] =	ssyncset.done $0x0  }
0x49: {  	s22 =	sshra.s32 s22, $0x2;
	[sflag:s16] =	ssyncadd.s32 $0xFFFFC000  }
0x4a: {  	[tilespmem:s15], [sflag:$0x1] =	stream.indirect.gather [hbm4b:s2+s18], $0x80, s22, s18, $0xb8;
	[tilespmem:$0x1BC00] =	vst v63  }
0x4b: {  	_ =	swait.ge [sflag:s19], $0x4000  }
0x4c: {  	[sflag:s19] =	ssyncset.done $0x0  }
0x4d: {  	s22 =	sadd.s32 $0x2800, s22;
	[sflag:s19] =	ssyncadd.s32 $0xFFFFC000  }
0x4e: {  	[spmem:s3] =	stream.indirect.scatter.add.f32 [tilespmem:s15], [sflag:$0x2], $0x80, s22, s18, $0xb8;
	[tilespmem:$0x1BC00] =	vst v63  }
0x4f: {  	_ =	swait.ge [sflag:s16], $0x4000  }
0x50: {  	[sflag:s16] =	ssyncset.done $0x0  }
0x51: {  	s29 =	simm.s32 $0x0;
	[sflag:s16] =	ssyncadd.s32 $0xFFFFC000  }
0x52: {  	[tilespmem:s17], [sflag:$0x2] =	stream.linear.gather [hbm4b:s12+s29], $0x1400, $0x38;
	[tilespmem:$0x1BC00] =	vst v63  }
0x53: {  	_ =	swait.ge [sflag:s16], $0x1400  }
0x54: {  	[sflag:s16] =	ssyncset.done $0x0  }
0x55: {  	s30 =	simm.s32 $0x1400;
	[sflag:s16] =	ssyncadd.s32 $0xFFFFEC00  }
0x56: {  	[tilespmem:s15], [sflag:$0x1] =	stream.indirect.gather [hbm4b:s2+s18], $0x80, s30, s18, $0xb8;
	[tilespmem:$0x1BC00] =	vst v63  }
0x57: {  	_ =	swait.ge [sflag:s19], $0x4000  }
0x58: {  	[sflag:s19] =	ssyncset.done $0x0  }
0x59: {  	s31 =	simm.s32 $0x2800;
	[sflag:s19] =	ssyncadd.s32 $0xFFFFC000  }
0x5a: {  	[spmem:s3] =	stream.indirect.scatter.add.f32 [tilespmem:s15], [sflag:$0x2], $0x80, s31, s18, $0xb8;
	[tilespmem:$0x1BC00] =	vst v63  }
0x5b: {  	_ =	swait.ge [sflag:s16], $0x4000  }
0x5c: {  	s23 =	simm.s32 $0x400;
	s22 =	simm.s32 $0x80;
	[sflag:s16] =	ssyncset.done $0x0  }
.LBB2_6:
0x5d: {  	s24 =	sadd.s32 $0x1400, s22  }
0x5e: {  	[sflag:s16] =	ssyncadd.s32 $0xFFFFC000;
	s25 =	smov.u32 s23;
	s26 =	sadd.s32 $0x200, s23  }
0x5f: {  	[tilespmem:s15], [sflag:$0x1] =	stream.indirect.gather [hbm4b:s2+s18], $0x80, s24, s18, $0xb8;
	[tilespmem:$0x1BC00] =	vst v63  }
0x60: {  	p0 =	sne.s32 s23, $0x4E00;
	_ =	swait.ge [sflag:s19], $0x4000  }
.Ltmp2:
0x61: {  	[sflag:s19] =	ssyncset.done $0x0;
	(pc) =	sbr.rel @p0 .LBB2_6-.Ltmp2, $4  }
0x62: {  	s22 =	sadd.s32 $0x2800, s22;
	[sflag:s19] =	ssyncadd.s32 $0xFFFFC000  }
0x63: {  	[spmem:s3] =	stream.indirect.scatter.add.f32 [tilespmem:s15], [sflag:$0x2], $0x80, s22, s18, $0xb8;
	[tilespmem:$0x1BC00] =	vst v63  }
0x64: {  	_ =	swait.ge [sflag:s16], $0x4000  }
0x65: {  	s23 =	smov.u32 s26;
	s22 =	sshra.s32 s25, $0x2;
	[sflag:s16] =	ssyncset.done $0x0  }
0x66: {  	s23 =	sadd.s32 $0x1400, s22;
	[sflag:s16] =	ssyncadd.s32 $0xFFFFC000  }
0x67: {  	[tilespmem:s15], [sflag:$0x1] =	stream.indirect.gather [hbm4b:s2+s18], $0x80, s23, s18, $0xb8;
	[tilespmem:$0x1BC00] =	vst v63  }
0x68: {  	_ =	swait.ge [sflag:s19], $0x4000  }
0x69: {  	[sflag:s19] =	ssyncset.done $0x0  }
0x6a: {  	s30 =	sadd.s32 $0x2800, s22;
	[sflag:s19] =	ssyncadd.s32 $0xFFFFC000  }
0x6b: {  	[spmem:s3] =	stream.indirect.scatter.add.f32 [tilespmem:s15], [sflag:$0x2], $0x80, s30, s18, $0xb8;
	[tilespmem:$0x1BC00] =	vst v63  }
0x6c: {  	_ =	swait.ge [sflag:s16], $0x4000  }
0x6d: {  	s21 =	sadd.s32 $0x1, s21;
	[sflag:s16] =	ssyncset.done $0x0  }
0x6e: {  	p0 =	sne.s32 s21, s14;
	[sflag:s16] =	ssyncadd.s32 $0xFFFFC000  }
.Ltmp3:
0x6f: {  	s31 =	sshrl.u32 s5, $0x3;
	[bflag:$0x0] =	sbarrier.arrive $0xFFFF;
	(pc) =	sbr.rel @p0 .LBB2_1-.Ltmp3, $4  }
0x70: {  	[hbm:s13], [sflag:s20] =	dma.local [spmem:s31], $0x2800  }
0x71: {  	_ =	swait.ge [sflag:s16], $0x2800  }
0x72: {  	[sflag:s16] =	ssyncset.done $0x0  }
0x73: {  	[sflag:s16] =	ssyncadd.s32 $0xFFFFD800  }
0x74: {  	_ =	sfence.sel $0x180000  }
0x75: {  	[bflag:$0x0] =	sbarrier.arrive $0xFFFF  }
0x76: {  	p0 =	sne.s32 s0, $0x0;
	_ =	strace $0x9000004A  }
0x77: {  	s0 =	sadd.s32 @!p0 $0x100000, s1;
	[bflag:$0x2] =	sbarrier.arrive $0xFFFF  }
0x78: {  	[sflag:s0] =	ssyncadd.tile.s32 @!p0 $0x1;
	_ =	shalt  }
.Lfunc_end2:
_tile_overlayer_lowered:
.L_overlay_start_2:
0x79: {  	(tag) =	ssettag $0x2  }
0x7a: {  	s0 =	rddreg [dreg:$0x0];
	s2 =	stileid.u32  }
0x7b: {  	s1 =	rddreg [dreg:$0x1];
	p0 =	sne.s32 s2, $0x0  }
0x7c: {  	s3 =	rddreg [dreg:$0x2];
	[bflag:$0x3] =	sbarrier.arrive $0xFFFF;
	s2 =	simm.s32 @!p0 $0x1C02  }
0x7d: {  	[timem:s3], [sflag:s2] =	dma.local @!p0 [hbm:s0], s1  }
0x7e: {  	s0 =	simm.s32 @!p0 $0x2  }
0x7f: {  	_ =	swait.ge @!p0 [sflag:s0], s1  }
0x80: {  	s1 =	ssub.s32 @!p0 $0x0, s1;
	[sflag:s0] =	ssyncset.done @!p0 $0x0  }
0x81: {  	[sflag:s0] =	ssyncadd.s32 @!p0 s1  }
0x82: {  	[bflag:$0x3] =	sbarrier.arrive $0xFFFF  }
0x83: {  	_ =	shalt  }

// kernel: kernel.7.cloned.1.call-start
scs
__scs_entry_jumppad:
0x0: {  	(pc) =	sbr.rel $0x88, $3  }
0x1: {  	(tag) =	ssettag $0x0;
	lr =	simm.s32 $0x1  }
0x2: {  	[smem:$0x3F99] =	sst lr;
	_ =	strace $0xD0000000  }
0x3: {  	_ = 	snop  }
0x4: {  	_ = 	snop  }
0x5: {  	_ = 	snop  }
0x6: {  	_ = 	snop  }
0x7: {  	_ = 	snop  }
__scs_overlays_trampoline_lowered:
0x8: {  	[smem:$0x3FA8] =	sst s0  }
0x9: {  	[smem:$0x3FA9] =	sst s1  }
0xa: {  	[smem:$0x3FAA] =	sst s2  }
0xb: {  	[smem:$0x3FAB] =	sst s3  }
0xc: {  	[smem:$0x3FAC] =	sst s4  }
0xd: {  	[smem:$0x3FAD] =	sst s5  }
0xe: {  	[smem:$0x3FAE] =	sst s6  }
0xf: {  	[smem:$0x3FAF] =	sst s7  }
0x10: {  	[smem:$0x3FB0] =	sst s8  }
0x11: {  	[smem:$0x3FB1] =	sst s9;
	s0 =	simm.s32 @!p0 $0x0  }
0x12: {  	s1 =	sld [smem:$0x3F97];
	s0 =	simm.s32 @p0 $0x1  }
0x13: {  	[smem:$0x3FB2] =	sst s0;
	s0 =	simm.s32 @!p1 $0x0  }
0x14: {  	s2 =	sld [smem:$0x3F96];
	s0 =	simm.s32 @p1 $0x1  }
0x15: {  	[smem:$0x3FB3] =	sst s0;
	s0 =	simm.s32 @!p2 $0x0  }
0x16: {  	s3 =	sld [smem:$0x3FDB];
	s0 =	simm.s32 @p2 $0x1  }
0x17: {  	s4 =	simm.s32 $0x1BF5;
	[smem:$0x3FB5] =	sst s0  }
0x18: {  	s0 =	sld [smem:$0x3F98];
	_ =	swait.ge [sflag:s4], $0x0  }
0x19: {  	s7 =	sld [smem:$0x3F99]  }
0x1a: {  	s8 =	sadd.s32 $0xFFFFE003, lr  }
0x1b: {  	s9 =	sadd.s32 $0xFFFFFEF7, lr;
	s5 =	simm.s32 $0xFFFFFFFF;
	p2 =	slt.u32 s8, $0xFFFFF086  }
0x1c: {  	p1 =	slt.u32 s9, $0xF7A;
	s5 =	simm.s32 @!p2 $0x0  }
0x1d: {  	s5 =	simm.s32 @p1 $0x1;
	p0 =	seq.s32 s7, s2  }
0x1e: {  	s7 =	smul.u32 @!p0 $0xF7A, s2;
	p2 =	seq.s32 @!p0 s5, $0x0  }
0x1f: {  	s9 =	smul.u32 $0xF7A, s1;
	s8 =	simm.s32 @!p0 $0x1BF5;
	p2 =	por !p2, p0  }
0x20: {  	[sflag:s8] =	ssyncset.s32 @!p0 $0xFFFFF086;
	s6 =	sadd.s32 @!p0 s3, s7;
	s7 =	simm.s32 @!p0 $0x108  }
0x21: {  	s3 =	sadd.s32 s3, s9;
	s6 =	sadd.s32 @!p0 $0x88, s6;
	s7 =	simm.s32 @p2 $0x1082  }
0x22: {  	[simem:s7], [sflag:s8] =	dma.local @!p0 [hbm:s6], $0xF7A  }
0x23: {  	s9 =	sor.u32 $0xD0000000, s2;
	s6 =	simm.s32 $0x108;
	_ =	swait.ge @!p0 [sflag:s8], $0x0  }
0x24: {  	s3 =	sadd.s32 $0x88, s3;
	s6 =	simm.s32 @!p1 $0x1082;
	[sflag:s4] =	ssyncset.s32 $0xFFFFF086  }
0x25: {  	[simem:s6], [sflag:s4] =	dma.local [hbm:s3], $0xF7A  }
0x26: {  	[smem:$0x3F99] =	sst s1;
	(tag) =	ssettag s2;
	_ =	strace s9  }
0x27: {  	s1 =	sld [smem:$0x3FA9]  }
0x28: {  	s2 =	sld [smem:$0x3FAA]  }
0x29: {  	s4 =	sld [smem:$0x3FAC]  }
0x2a: {  	p0 =	seq.s32 s5, $0x0;
	s5 =	sld [smem:$0x3FAD]  }
0x2b: {  	s6 =	sld [smem:$0x3FAE]  }
0x2c: {  	s7 =	sld [smem:$0x3FAF]  }
0x2d: {  	s3 =	simm.s32 $0x108;
	s8 =	sld [smem:$0x3FB0]  }
0x2e: {  	s3 =	simm.s32 @!p0 $0x1082;
	s9 =	sld [smem:$0x3FB1]  }
0x2f: {  	lr =	sadd.s32 s0, s3;
	s0 =	sld [smem:$0x3FA8]  }
0x30: {  	s3 =	sld [smem:$0x3FAB]  }
0x31: {  	[smem:$0x3FB4] =	sst s10  }
0x32: {  	s10 =	sld [smem:$0x3FB2];
	_ =	sdelay $0x3  }
0x33: {  	p0 =	seq.s32 s10, $0x1;
	s10 =	sld [smem:$0x3FB4];
	_ =	sdelay $0x3  }
0x34: {  	[smem:$0x3FB4] =	sst s10  }
0x35: {  	s10 =	sld [smem:$0x3FB3];
	_ =	sdelay $0x3  }
0x36: {  	p1 =	seq.s32 s10, $0x1;
	s10 =	sld [smem:$0x3FB4];
	_ =	sdelay $0x3  }
0x37: {  	[smem:$0x3FB4] =	sst s10  }
0x38: {  	s10 =	sld [smem:$0x3FB5]  }
0x39: {  	_ = 	snop;
	(pc) =	sbr.ind lr, $3  }
0x3a: {  	_ = 	snop  }
0x3b: {  	_ = 	snop  }
0x3c: {  	p2 =	seq.s32 s10, $0x1;
	s10 =	sld [smem:$0x3FB4]  }
0x3d: {  	_ =	shalt  }
0x3e: {  	_ =	shalt  }
0x3f: {  	_ =	shalt  }
0x40: {  	_ =	shalt  }
0x41: {  	_ =	shalt  }
0x42: {  	_ =	shalt  }
0x43: {  	_ =	shalt  }
0x44: {  	_ =	shalt  }
0x45: {  	_ =	shalt  }
0x46: {  	_ =	shalt  }
0x47: {  	_ =	shalt  }
0x48: {  	_ =	shalt  }
0x49: {  	_ =	shalt  }
0x4a: {  	_ =	shalt  }
0x4b: {  	_ =	shalt  }
0x4c: {  	_ =	shalt  }
0x4d: {  	_ =	shalt  }
0x4e: {  	_ =	shalt  }
0x4f: {  	_ =	shalt  }
0x50: {  	_ =	shalt  }
0x51: {  	_ =	shalt  }
0x52: {  	_ =	shalt  }
0x53: {  	_ =	shalt  }
0x54: {  	_ =	shalt  }
0x55: {  	_ =	shalt  }
0x56: {  	_ =	shalt  }
0x57: {  	_ =	shalt  }
0x58: {  	_ =	shalt  }
0x59: {  	_ =	shalt  }
0x5a: {  	_ =	shalt  }
0x5b: {  	_ =	shalt  }
0x5c: {  	_ =	shalt  }
0x5d: {  	_ =	shalt  }
0x5e: {  	_ =	shalt  }
0x5f: {  	_ =	shalt  }
0x60: {  	_ =	shalt  }
0x61: {  	_ =	shalt  }
0x62: {  	_ =	shalt  }
0x63: {  	_ =	shalt  }
0x64: {  	_ =	shalt  }
0x65: {  	_ =	shalt  }
0x66: {  	_ =	shalt  }
0x67: {  	_ =	shalt  }
0x68: {  	_ =	shalt  }
0x69: {  	_ =	shalt  }
0x6a: {  	_ =	shalt  }
0x6b: {  	_ =	shalt  }
0x6c: {  	_ =	shalt  }
0x6d: {  	_ =	shalt  }
0x6e: {  	_ =	shalt  }
0x6f: {  	_ =	shalt  }
0x70: {  	_ =	shalt  }
0x71: {  	_ =	shalt  }
0x72: {  	_ =	shalt  }
0x73: {  	_ =	shalt  }
0x74: {  	_ =	shalt  }
0x75: {  	_ =	shalt  }
0x76: {  	_ =	shalt  }
0x77: {  	_ =	shalt  }
0x78: {  	_ =	shalt  }
0x79: {  	_ =	shalt  }
0x7a: {  	_ =	shalt  }
0x7b: {  	_ =	shalt  }
0x7c: {  	_ =	shalt  }
0x7d: {  	_ =	shalt  }
0x7e: {  	_ =	shalt  }
0x7f: {  	_ =	shalt  }
0x80: {  	_ =	shalt  }
0x81: {  	_ =	shalt  }
0x82: {  	_ =	shalt  }
0x83: {  	_ =	shalt  }
0x84: {  	_ =	shalt  }
0x85: {  	_ =	shalt  }
0x86: {  	_ =	shalt  }
0x87: {  	_ =	shalt  }
.Lfunc_end0:
.L_simem_size_0:
called_computation_lowered:
.L_overlay_start_0:
0x88: {  	s2 =	sld [smem:$0x3FD9]  }
0x89: {  	s3 =	sld [smem:$0x3FFE];
	_ =	sdelay $0x1  }
0x8a: {  	s1 =	srdreg.scid  }
0x8b: {  	s0 =	sand.u32 $0x1, s1  }
0x8c: {  	s17 =	sshll.u32 s0, $0xA;
	s2 =	sadd.s32 s3, s2  }
0x8d: {  	s2 =	sadd.s32 s2, s17  }
0x8e: {  	[smem:$0x3FC0] =	sst s2  }
0x8f: {  	_ = 	snop  }
0x90: {  	s2 =	sld [smem:$0x3FD0];
	(tm) =	ssettm $0x1  }
0x91: {  	s18 =	sld [smem:$0x3FFB];
	_ =	sdelay $0x3  }
0x92: {  	_ =	strace s18  }
0x93: {  	s3 =	sld [smem:$0x3FFC];
	_ =	sdelay $0x3  }
0x94: {  	_ =	strace s3  }
0x95: {  	s3 =	sld [smem:$0x3FFD];
	_ =	sdelay $0x3  }
0x96: {  	_ =	strace s3  }
0x97: {  	_ =	strace $0x8FFFFFFF  }
0x98: {  	s19 =	sld [smem:$0x3FDB];
	_ =	sdelay $0x1  }
0x99: {  	s4 =	simm.s32 $_scs_section_size  }
0x9a: {  	s5 =	simm.s32 $_size__tile_overlayer_lowered;
	s6 =	simm.s32 $_tile_overlayer_lowered  }
0x9b: {  	s22 =	simm.s32 $0x1BFF;
	s21 =	sshll.u32 s6, $0x1;
	s3 =	sadd.s32 s4, s19  }
0x9c: {  	s7 =	simm.s32 $0x0;
	s20 =	sshll.u32 s5, $0x1;
	s5 =	sadd.s32 s21, s3  }
0x9d: {  	[timem:s7], [sflag:s22] =	dma.local [hbm:s5], s20  }
0x9e: {  	_ =	swait.ge [sflag:s22], s20  }
0x9f: {  	s4 =	ssub.s32 $0x0, s20;
	[sflag:s22] =	ssyncset.done $0x0  }
0xa0: {  	[sflag:s22] =	ssyncadd.s32 s4;
	_ =	sdelay $0x1  }
0xa1: {  	s23 =	simm.s32 $0x1B8B  }
0xa2: {  	_ =	swait.ge [sflag:s23], $0x1  }
0xa3: {  	[sflag:s23] =	ssyncset.done $0x0  }
0xa4: {  	s25 =	simm.s32 $0x1B8E;
	s24 =	sld [smem:$0x3FFE];
	[sflag:s23] =	ssyncadd.s32 $0xFFFFFFFF  }
0xa5: {  	s26 =	simm.s32 $execute0_lowered;
	[smem:$0x3FD2] =	sst s25  }
0xa6: {  	s5 =	sshll.u32 s26, $0x1;
	_ =	strace $0x80000046;
	[dreg:$0x1] =	wrdreg $0xFFFFFFFF  }
0xa7: {  	s28 =	simm.s32 $_size_execute0_lowered;
	s3 =	sadd.s32 s3, s5;
	[dreg:$0x0] =	wrdreg $0x0  }
0xa8: {  	s5 =	sshll.u32 s28, $0x1;
	[dreg:$0x2] =	wrdreg s3  }
0xa9: {  	[dreg:$0x3] =	wrdreg s5  }
0xaa: {  	[dreg:$0x4] =	wrdreg $0xC0  }
0xab: {  	_ =	task [dreg:s7], $0x5FFFF  }
0xac: {  	[dreg:$0x1] =	wrdreg $0xFFFFFFFF  }
0xad: {  	[dreg:$0x0] =	wrdreg $0x60  }
0xae: {  	[dreg:$0x2] =	wrdreg s24  }
0xaf: {  	[dreg:$0x3] =	wrdreg s2  }
0xb0: {  	[dreg:$0x4] =	wrdreg $0x7C000  }
0xb1: {  	[dreg:$0x5] =	wrdreg $0x9  }
0xb2: {  	_ =	task.clear_ibuf [dreg:s7], $0x6FFFF;
	_ =	strace $0x90000046  }
0xb3: {  	s29 =	simm.s32 $0x9;
	_ =	strace $0x80000048  }
0xb4: {  	_ =	swait.ge [sflag:s29], $0x1  }
0xb5: {  	[sflag:s29] =	ssyncadd.s32 $0xFFFFFFFF  }
0xb6: {  	_ =	strace $0x90000048  }
0xb7: {  	_ =	sfence  }
0xb8: {  	s30 =	sld [smem:$0x0];
	_ =	sdelay $0x2  }
0xb9: {  	s31 =	sshll.u32 s1, $0xD;
	s1 =	sshrl.u32 s1, $0x2  }
0xba: {  	s3 =	sand.u32 $0x4000, s31;
	s1 =	sadd.s32 s1, s30  }
0xbb: {  	s0 =	sor.u32 s3, s0;
	s1 =	sshll.u32 s1, $0x11  }
0xbc: {  	s0 =	sor.u32 s1, s0  }
0xbd: {  	s0 =	sadd.s32 $0x8F2B, s0  }
0xbe: {  	[sflag:s0] =	ssyncadd.remote.s32 $0x1  }
0xbf: {  	_ =	sfence.sel $0xFFFF  }
0xc0: {  	[dreg:$0x0] =	wrdreg $0xFFFFFFFF;
	(pc) =	sbr.abs _section_cstart, $3  }
0xc1: {  	[dreg:$0x1] =	wrdreg $0xFFFFFFFF  }
0xc2: {  	_ =	task.clear_ibuf [dreg:s7], $0x2FFFF;
	_ =	strace $0x9FFFFFFF  }
0xc3: {  	(tm) =	ssettm $0x7FFFFFFF  }
tec
execute0_lowered:
.L_overlay_start_1:
0x0: {  	(tag) =	ssettag $0x1  }
0x1: {  	s6 =	rddreg [dreg:$0x0]  }
0x2: {  	s2 =	rddreg [dreg:$0x1]  }
0x3: {  	s0 =	srdreg.scid;
	s3 =	rddreg [dreg:$0x2]  }
0x4: {  	s4 =	simm.s32 $0x0;
	s15 =	simm.s32 $0x3C00;
	s16 =	simm.s32 $0x2  }
0x5: {  	s17 =	simm.s32 $0x2800;
	s18 =	simm.s32 $0x80;
	s5 =	sand.u32 $0x1, s0  }
0x6: {  	s19 =	simm.s32 $0x1;
	s0 =	stileid.u32;
	s8 =	smul.u32 $0x140000, s5  }
0x7: {  	s21 =	simm.s32 $0x0;
	[smem:$0x7FF] =	sst s4;
	s9 =	smul.u32 $0x14000, s0  }
0x8: {  	s1 =	sshll.u32 s5, $0x4;
	s10 =	smul.u32 $0x50000, s0;
	s29 =	ssub.s32 $0x2, s5  }
0x9: {  	s20 =	sshll.u32 s0, $0x6;
	s1 =	sor.u32 s0, s1;
	s31 =	sshrl.u32 s29, $0x1  }
0xa: {  	s20 =	sor.u32 $0x1C02, s20;
	s7 =	smul.u32 $0x2800, s1;
	s1 =	rddreg [dreg:$0x3]  }
0xb: {  	_ =	strace $0x80000047;
	s28 =	sadd.s32 s9, s8;
	s30 =	sshrl.u32 s10, $0x2  }
0xc: {  	s14 =	ssub.s32 s29, s31;
	s5 =	sadd.s32 s30, s3;
	s7 =	sshrl.u32 s7, $0x3  }
0xd: {  	s14 =	smax.u32 s14, $0x1;
	s12 =	sadd.s32 s7, s6;
	s7 =	sshrl.u32 s28, $0x3  }
0xe: {  	s8 =	sadd.s32 $0xC000, s5;
	s9 =	sadd.s32 $0x10000, s5;
	s13 =	sadd.s32 s7, s6  }
0xf: {  	s6 =	sadd.s32 $0x4000, s5;
	s7 =	sadd.s32 $0x8000, s5;
	s10 =	sadd.s32 $0xB600, s12  }
0x10: {  	v0 =	vimm.f32 $0.0e+00;
	s11 =	sadd.s32 $0x1600, s12;
	s12 =	sadd.s32 $0x1880, s12;
	s13 =	sadd.s32 $0x15600, s13  }
.LBB2_1:
0x11: {  	s22 =	sand.u32 $0xFE00, s4  }
0x12: {  	s23 =	sand.u32 $0x70, s4;
	s24 =	sshrl.u32 s22, $0x2  }
0x13: {  	s22 =	simm.s32 $0x40;
	s24 =	sor.u32 s23, s24;
	s23 =	simm.s32 $0x0  }
.LBB2_2:
0x14: {  	p0 =	sne.s32 s22, $0xFFC0  }
0x15: {  	[tilespmem:s24+$0x3C00] =	vst v0;
	s23 =	sadd.s32 $0x10, s23;
	s24 =	smov.u32 s22;
	s22 =	sadd.s32 $0x40, s22  }
.Ltmp0:
0x16: {  	(pc) =	sbr.rel @p0 .LBB2_2-.Ltmp0, $4  }
0x17: {  	_ = 	snop  }
0x18: {  	s24 =	sand.u32 $0xFE00, s24  }
0x19: {  	s25 =	sand.u32 $0x70, s23;
	s24 =	sshrl.u32 s24, $0x2  }
0x1a: {  	s24 =	sor.u32 s25, s24  }
0x1b: {  	[tilespmem:s24+$0x3C00] =	vst v0  }
0x1c: {  	[spmem:s5] =	stream.linear.scatter [tilespmem:s15], [sflag:$0x2], $0x4000, $0x38;
	[tilespmem:$0x1BC00] =	vst v63  }
0x1d: {  	_ =	swait.ge [sflag:s16], $0x4000  }
0x1e: {  	[sflag:s16] =	ssyncset.done $0x0  }
0x1f: {  	[sflag:s16] =	ssyncadd.s32 $0xFFFFC000  }
0x20: {  	[spmem:s6] =	stream.linear.scatter [tilespmem:s15], [sflag:$0x2], $0x4000, $0x38;
	[tilespmem:$0x1BC00] =	vst v63  }
0x21: {  	_ =	swait.ge [sflag:s16], $0x4000  }
0x22: {  	[sflag:s16] =	ssyncset.done $0x0  }
0x23: {  	[sflag:s16] =	ssyncadd.s32 $0xFFFFC000  }
0x24: {  	[spmem:s7] =	stream.linear.scatter [tilespmem:s15], [sflag:$0x2], $0x4000, $0x38;
	[tilespmem:$0x1BC00] =	vst v63  }
0x25: {  	_ =	swait.ge [sflag:s16], $0x4000  }
0x26: {  	[sflag:s16] =	ssyncset.done $0x0  }
0x27: {  	[sflag:s16] =	ssyncadd.s32 $0xFFFFC000  }
0x28: {  	[spmem:s8] =	stream.linear.scatter [tilespmem:s15], [sflag:$0x2], $0x4000, $0x38;
	[tilespmem:$0x1BC00] =	vst v63  }
0x29: {  	_ =	swait.ge [sflag:s16], $0x4000  }
0x2a: {  	[sflag:s16] =	ssyncset.done $0x0  }
0x2b: {  	[sflag:s16] =	ssyncadd.s32 $0xFFFFC000  }
0x2c: {  	[spmem:s9] =	stream.linear.scatter [tilespmem:s15], [sflag:$0x2], $0x4000, $0x38;
	[tilespmem:$0x1BC00] =	vst v63  }
0x2d: {  	_ =	swait.ge [sflag:s16], $0x4000  }
0x2e: {  	[sflag:s16] =	ssyncset.done $0x0  }
0x2f: {  	[sflag:s16] =	ssyncadd.s32 $0xFFFFC000  }
0x30: {  	s22 =	simm.s32 $0x0;
	[bflag:$0x0] =	sbarrier.arrive $0xFFFF  }
0x31: {  	[tilespmem:s22], [sflag:$0x2] =	stream.linear.gather [hbm4b:s10+s22], $0x2800, $0x38;
	[tilespmem:$0x1BC00] =	vst v63  }
0x32: {  	_ =	swait.ge [sflag:s16], $0x2800  }
0x33: {  	[sflag:s16] =	ssyncset.done $0x0  }
0x34: {  	[sflag:s16] =	ssyncadd.s32 $0xFFFFD800  }
0x35: {  	[tilespmem:s17], [sflag:$0x2] =	stream.linear.gather [hbm4b:s11+s22], $0x1400, $0x38;
	[tilespmem:$0x1BC00] =	vst v63  }
0x36: {  	_ =	swait.ge [sflag:s16], $0x1400  }
0x37: {  	[sflag:s16] =	ssyncset.done $0x0  }
0x38: {  	s30 =	simm.s32 $0x0;
	[sflag:s16] =	ssyncadd.s32 $0xFFFFEC00  }
0x39: {  	[tilespmem:s15], [sflag:$0x1] =	stream.indirect.gather [hbm4b:s2+s18], $0x80, s30, s18, $0xb8;
	[tilespmem:$0x1BC00] =	vst v63  }
0x3a: {  	_ =	swait.ge [sflag:s19], $0x4000  }
0x3b: {  	[sflag:s19] =	ssyncset.done $0x0  }
0x3c: {  	s31 =	simm.s32 $0x2800;
	[sflag:s19] =	ssyncadd.s32 $0xFFFFC000  }
0x3d: {  	[spmem:s3] =	stream.indirect.scatter.add.f32 [tilespmem:s15], [sflag:$0x2], $0x80, s31, s18, $0xb8;
	[tilespmem:$0x1BC00] =	vst v63  }
0x3e: {  	_ =	swait.ge [sflag:s16], $0x4000  }
0x3f: {  	s23 =	simm.s32 $0x400;
	s22 =	simm.s32 $0x200;
	[sflag:s16] =	ssyncset.done $0x0  }
.LBB2_4:
0x40: {  	s24 =	sshra.s32 s22, $0x2  }
0x41: {  	[sflag:s16] =	ssyncadd.s32 $0xFFFFC000;
	s22 =	smov.u32 s23;
	s25 =	sadd.s32 $0x200, s23  }
0x42: {  	[tilespmem:s15], [sflag:$0x1] =	stream.indirect.gather [hbm4b:s2+s18], $0x80, s24, s18, $0xb8;
	[tilespmem:$0x1BC00] =	vst v63  }
0x43: {  	p0 =	sne.s32 s23, $0x4E00;
	_ =	swait.ge [sflag:s19], $0x4000  }
.Ltmp1:
0x44: {  	[sflag:s19] =	ssyncset.done $0x0;
	(pc) =	sbr.rel @p0 .LBB2_4-.Ltmp1, $4  }
0x45: {  	s23 =	sadd.s32 $0x2800, s24;
	[sflag:s19] =	ssyncadd.s32 $0xFFFFC000  }
0x46: {  	[spmem:s3] =	stream.indirect.scatter.add.f32 [tilespmem:s15], [sflag:$0x2], $0x80, s23, s18, $0xb8;
	[tilespmem:$0x1BC00] =	vst v63  }
0x47: {  	_ =	swait.ge [sflag:s16], $0x4000  }
0x48: {  	s23 =	smov.u32 s25;
	[sflag:s16] =	ssyncset.done $0x0  }
0x49: {  	s22 =	sshra.s32 s22, $0x2;
	[sflag:s16] =	ssyncadd.s32 $0xFFFFC000  }
0x4a: {  	[tilespmem:s15], [sflag:$0x1] =	stream.indirect.gather [hbm4b:s2+s18], $0x80, s22, s18, $0xb8;
	[tilespmem:$0x1BC00] =	vst v63  }
0x4b: {  	_ =	swait.ge [sflag:s19], $0x4000  }
0x4c: {  	[sflag:s19] =	ssyncset.done $0x0  }
0x4d: {  	s22 =	sadd.s32 $0x2800, s22;
	[sflag:s19] =	ssyncadd.s32 $0xFFFFC000  }
0x4e: {  	[spmem:s3] =	stream.indirect.scatter.add.f32 [tilespmem:s15], [sflag:$0x2], $0x80, s22, s18, $0xb8;
	[tilespmem:$0x1BC00] =	vst v63  }
0x4f: {  	_ =	swait.ge [sflag:s16], $0x4000  }
0x50: {  	[sflag:s16] =	ssyncset.done $0x0  }
0x51: {  	s29 =	simm.s32 $0x0;
	[sflag:s16] =	ssyncadd.s32 $0xFFFFC000  }
0x52: {  	[tilespmem:s17], [sflag:$0x2] =	stream.linear.gather [hbm4b:s12+s29], $0x1400, $0x38;
	[tilespmem:$0x1BC00] =	vst v63  }
0x53: {  	_ =	swait.ge [sflag:s16], $0x1400  }
0x54: {  	[sflag:s16] =	ssyncset.done $0x0  }
0x55: {  	s30 =	simm.s32 $0x1400;
	[sflag:s16] =	ssyncadd.s32 $0xFFFFEC00  }
0x56: {  	[tilespmem:s15], [sflag:$0x1] =	stream.indirect.gather [hbm4b:s2+s18], $0x80, s30, s18, $0xb8;
	[tilespmem:$0x1BC00] =	vst v63  }
0x57: {  	_ =	swait.ge [sflag:s19], $0x4000  }
0x58: {  	[sflag:s19] =	ssyncset.done $0x0  }
0x59: {  	s31 =	simm.s32 $0x2800;
	[sflag:s19] =	ssyncadd.s32 $0xFFFFC000  }
0x5a: {  	[spmem:s3] =	stream.indirect.scatter.add.f32 [tilespmem:s15], [sflag:$0x2], $0x80, s31, s18, $0xb8;
	[tilespmem:$0x1BC00] =	vst v63  }
0x5b: {  	_ =	swait.ge [sflag:s16], $0x4000  }
0x5c: {  	s23 =	simm.s32 $0x400;
	s22 =	simm.s32 $0x80;
	[sflag:s16] =	ssyncset.done $0x0  }
.LBB2_6:
0x5d: {  	s24 =	sadd.s32 $0x1400, s22  }
0x5e: {  	[sflag:s16] =	ssyncadd.s32 $0xFFFFC000;
	s25 =	smov.u32 s23;
	s26 =	sadd.s32 $0x200, s23  }
0x5f: {  	[tilespmem:s15], [sflag:$0x1] =	stream.indirect.gather [hbm4b:s2+s18], $0x80, s24, s18, $0xb8;
	[tilespmem:$0x1BC00] =	vst v63  }
0x60: {  	p0 =	sne.s32 s23, $0x4E00;
	_ =	swait.ge [sflag:s19], $0x4000  }
.Ltmp2:
0x61: {  	[sflag:s19] =	ssyncset.done $0x0;
	(pc) =	sbr.rel @p0 .LBB2_6-.Ltmp2, $4  }
0x62: {  	s22 =	sadd.s32 $0x2800, s22;
	[sflag:s19] =	ssyncadd.s32 $0xFFFFC000  }
0x63: {  	[spmem:s3] =	stream.indirect.scatter.add.f32 [tilespmem:s15], [sflag:$0x2], $0x80, s22, s18, $0xb8;
	[tilespmem:$0x1BC00] =	vst v63  }
0x64: {  	_ =	swait.ge [sflag:s16], $0x4000  }
0x65: {  	s23 =	smov.u32 s26;
	s22 =	sshra.s32 s25, $0x2;
	[sflag:s16] =	ssyncset.done $0x0  }
0x66: {  	s23 =	sadd.s32 $0x1400, s22;
	[sflag:s16] =	ssyncadd.s32 $0xFFFFC000  }
0x67: {  	[tilespmem:s15], [sflag:$0x1] =	stream.indirect.gather [hbm4b:s2+s18], $0x80, s23, s18, $0xb8;
	[tilespmem:$0x1BC00] =	vst v63  }
0x68: {  	_ =	swait.ge [sflag:s19], $0x4000  }
0x69: {  	[sflag:s19] =	ssyncset.done $0x0  }
0x6a: {  	s30 =	sadd.s32 $0x2800, s22;
	[sflag:s19] =	ssyncadd.s32 $0xFFFFC000  }
0x6b: {  	[spmem:s3] =	stream.indirect.scatter.add.f32 [tilespmem:s15], [sflag:$0x2], $0x80, s30, s18, $0xb8;
	[tilespmem:$0x1BC00] =	vst v63  }
0x6c: {  	_ =	swait.ge [sflag:s16], $0x4000  }
0x6d: {  	s21 =	sadd.s32 $0x1, s21;
	[sflag:s16] =	ssyncset.done $0x0  }
0x6e: {  	p0 =	sne.s32 s21, s14;
	[sflag:s16] =	ssyncadd.s32 $0xFFFFC000  }
.Ltmp3:
0x6f: {  	s31 =	sshrl.u32 s5, $0x3;
	[bflag:$0x0] =	sbarrier.arrive $0xFFFF;
	(pc) =	sbr.rel @p0 .LBB2_1-.Ltmp3, $4  }
0x70: {  	[hbm:s13], [sflag:s20] =	dma.local [spmem:s31], $0x2800  }
0x71: {  	_ =	swait.ge [sflag:s16], $0x2800  }
0x72: {  	[sflag:s16] =	ssyncset.done $0x0  }
0x73: {  	[sflag:s16] =	ssyncadd.s32 $0xFFFFD800  }
0x74: {  	_ =	sfence.sel $0x180000  }
0x75: {  	[bflag:$0x0] =	sbarrier.arrive $0xFFFF  }
0x76: {  	p0 =	sne.s32 s0, $0x0;
	_ =	strace $0x90000047  }
0x77: {  	s0 =	sadd.s32 @!p0 $0x100000, s1;
	[bflag:$0x2] =	sbarrier.arrive $0xFFFF  }
0x78: {  	[sflag:s0] =	ssyncadd.tile.s32 @!p0 $0x1;
	_ =	shalt  }
.Lfunc_end2:
_tile_overlayer_lowered:
.L_overlay_start_2:
0x79: {  	(tag) =	ssettag $0x2  }
0x7a: {  	s0 =	rddreg [dreg:$0x0];
	s2 =	stileid.u32  }
0x7b: {  	s1 =	rddreg [dreg:$0x1];
	p0 =	sne.s32 s2, $0x0  }
0x7c: {  	s3 =	rddreg [dreg:$0x2];
	[bflag:$0x3] =	sbarrier.arrive $0xFFFF;
	s2 =	simm.s32 @!p0 $0x1C02  }
0x7d: {  	[timem:s3], [sflag:s2] =	dma.local @!p0 [hbm:s0], s1  }
0x7e: {  	s0 =	simm.s32 @!p0 $0x2  }
0x7f: {  	_ =	swait.ge @!p0 [sflag:s0], s1  }
0x80: {  	s1 =	ssub.s32 @!p0 $0x0, s1;
	[sflag:s0] =	ssyncset.done @!p0 $0x0  }
0x81: {  	[sflag:s0] =	ssyncadd.s32 @!p0 s1  }
0x82: {  	[bflag:$0x3] =	sbarrier.arrive $0xFFFF  }
0x83: {  	_ =	shalt  }

</sc_bundles>
